<compile_context>
chip_gen: v7x
topology: tpu7x:2x2x1
jax: 0.10.2.dev20260603
libtpu: 0.0.44.dev20260713+nightly
codegen_flags: <defaults>
</compile_context>

<pallas_src>
import jax
import jax.numpy as jnp
from jax import lax
from jax.experimental import pallas as pl
from jax.experimental.pallas import tpu as pltpu
from jax.experimental.pallas import tpu_sc as plsc

B = 4096
D = 32
NC = 2
NS = 16
NW = NC * NS
BPW = B // NW
BLK = 512


def _gather_body(uid, pid, utab, ptab, uout, pout,
                 uidx_s, pidx_s, urows_v, prows_v, usem, psem):
    wid = lax.axis_index("s") * NC + lax.axis_index("c")
    base = wid * BPW
    pltpu.sync_copy(uid.at[pl.ds(base, BPW)], uidx_s)
    pltpu.sync_copy(pid.at[pl.ds(base, BPW)], pidx_s)
    lane = lax.iota(jnp.int32, 16)

    def body(g, carry):
        j0 = g * 16
        uvec = uidx_s[pl.ds(j0, 16)]
        pvec = pidx_s[pl.ds(j0, 16)]
        for k in range(16):
            m = lane == k
            urow = jnp.sum(jnp.where(m, uvec, 0))
            prow = jnp.sum(jnp.where(m, pvec, 0))
            pltpu.async_copy(utab.at[pl.ds(urow, 1), :],
                             urows_v.at[pl.ds(j0 + k, 1), :], usem)
            pltpu.async_copy(ptab.at[pl.ds(prow, 1), :],
                             prows_v.at[pl.ds(j0 + k, 1), :], psem)
        return carry

    lax.fori_loop(0, BPW // 16, body, 0)
    pltpu.make_async_copy(utab.at[pl.ds(0, BPW), :], urows_v, usem).wait()
    pltpu.make_async_copy(ptab.at[pl.ds(0, BPW), :], prows_v, psem).wait()
    pltpu.sync_copy(urows_v, uout.at[pl.ds(base, BPW)])
    pltpu.sync_copy(prows_v, pout.at[pl.ds(base, BPW)])


def _make_gather():
    return pl.kernel(
        _gather_body,
        mesh=plsc.VectorSubcoreMesh(core_axis_name="c", subcore_axis_name="s"),
        compiler_params=pltpu.CompilerParams(needs_layout_passes=False),
        out_type=[
            jax.ShapeDtypeStruct((B, D), jnp.float32),
            jax.ShapeDtypeStruct((B, D), jnp.float32),
        ],
        scratch_types=[
            pltpu.VMEM((BPW,), jnp.int32),
            pltpu.VMEM((BPW,), jnp.int32),
            pltpu.VMEM((BPW, D), jnp.float32),
            pltpu.VMEM((BPW, D), jnp.float32),
            pltpu.SemaphoreType.DMA,
            pltpu.SemaphoreType.DMA,
        ],
    )


def _loss_body(u_ref, p_ref, out_ref):
    i = pl.program_id(0)
    u = u_ref[...]
    p = p_ref[...]
    logits = lax.dot_general(u, p, (((1,), (1,)), ((), ())),
                             preferred_element_type=jnp.float32)
    s = jnp.sum(jnp.exp(logits), axis=1, keepdims=True)
    lse = jnp.log(s)
    pr = p_ref[pl.ds(i * BLK, BLK), :]
    diag = jnp.sum(u * pr, axis=1, keepdims=True)
    part = jnp.sum(lse - diag)
    r = lax.broadcasted_iota(jnp.int32, (8, 128), 0)
    c = lax.broadcasted_iota(jnp.int32, (8, 128), 1)
    out_ref[...] = jnp.where((r == 0) & (c == 0), part, 0.0)


def _loss_call(u_emb, p_emb):
    parts = pl.pallas_call(
        _loss_body,
        grid=(B // BLK,),
        in_specs=[
            pl.BlockSpec((BLK, D), lambda i: (i, 0)),
            pl.BlockSpec((B, D), lambda i: (0, 0)),
        ],
        out_specs=pl.BlockSpec((8, 128), lambda i: (i, 0)),
        out_shape=jax.ShapeDtypeStruct(((B // BLK) * 8, 128), jnp.float32),
        compiler_params=pltpu.CompilerParams(
            dimension_semantics=("parallel",)),
    )(u_emb, p_emb)
    return jnp.sum(parts)


def kernel(user_ids, product_ids, user_table, product_table):
    u_emb, p_emb = _make_gather()(user_ids, product_ids,
                                  user_table, product_table)
    return _loss_call(u_emb, p_emb)

# --- scband reference (transcript-rebuilt; emitter-appended) ---
"""Pipeline reference for scband-no-base-class-products-model-4466765988076 (READ-ONLY COPY).

The authoritative reference and input builder live on the scoring server;
editing this copy changes nothing except your own understanding.
"""

import jax, jax.numpy as jnp
import numpy as np

NUM_USERS = 1000000
NUM_PRODUCTS = 100000
EMBED_DIM = 32
BATCH = 4096

def setup_inputs(seed: int = 0) -> dict:
    key = jax.random.key(seed)
    k1, k2, k3, k4 = jax.random.split(key, 4)
    user_ids = jax.random.randint(k1, (BATCH,), 0, NUM_USERS, dtype=jnp.int64) if jax.config.jax_enable_x64 else jax.random.randint(k1, (BATCH,), 0, NUM_USERS, dtype=jnp.int32)
    product_ids = jax.random.randint(k2, (BATCH,), 0, NUM_PRODUCTS, dtype=jnp.int64) if jax.config.jax_enable_x64 else jax.random.randint(k2, (BATCH,), 0, NUM_PRODUCTS, dtype=jnp.int32)
    # learned parameters: embedding tables (vocab+1 rows to mirror StringLookup OOV row)
    user_table = jax.random.normal(k3, (NUM_USERS + 1, EMBED_DIM), dtype=jnp.float32) * 0.05
    product_table = jax.random.normal(k4, (NUM_PRODUCTS + 1, EMBED_DIM), dtype=jnp.float32) * 0.05
    return {"user_ids": user_ids, "product_ids": product_ids, "user_table": user_table, "product_table": product_table}

def reference(user_ids, product_ids, user_table, product_table):
    # user tower: embedding gather
    user_embeddings = jnp.take(user_table, user_ids, axis=0)            # [B, D]
    # product tower: embedding gather
    product_embeddings = jnp.take(product_table, product_ids, axis=0)   # [B, D]
    # tfrs.tasks.Retrieval: in-batch sampled softmax, positives on the diagonal
    logits = jnp.matmul(user_embeddings, product_embeddings.T)          # [B, B]
    labels = jnp.arange(logits.shape[0])
    log_probs = jax.nn.log_softmax(logits, axis=-1)
    nll = -jnp.take_along_axis(log_probs, labels[:, None], axis=-1)[:, 0]
    loss = jnp.sum(nll)  # tfrs default reduction is SUM over the batch
    return loss

if __name__ == "__main__":
    import jax
    _d = setup_inputs()
    print(jax.jit(kernel)(*tuple(_d.values())))

</pallas_src>

<mosaic_0001>
#map = affine_map<(d0, d1) -> (0)>
#map1 = affine_map<(d0, d1) -> (0, 0)>
module attributes {stable_mosaic.version = 14 : i64} {
  func.func @_gather_body(%arg0: i32, %arg1: i32, %arg2: memref<4096xi32, #tpu.memory_space<hbm>>, %arg3: memref<4096xi32, #tpu.memory_space<hbm>>, %arg4: memref<1000001x32xf32, #tpu.memory_space<hbm>>, %arg5: memref<100001x32xf32, #tpu.memory_space<hbm>>, %arg6: memref<4096x32xf32, #tpu.memory_space<hbm>>, %arg7: memref<4096x32xf32, #tpu.memory_space<hbm>>, %arg8: memref<128xi32, #tpu.memory_space<vmem>>, %arg9: memref<128xi32, #tpu.memory_space<vmem>>, %arg10: memref<128x32xf32, #tpu.memory_space<vmem>>, %arg11: memref<128x32xf32, #tpu.memory_space<vmem>>, %arg12: memref<!tpu.dma_semaphore, #tpu.memory_space<semaphore_mem>>, %arg13: memref<!tpu.dma_semaphore, #tpu.memory_space<semaphore_mem>>) attributes {dimension_semantics = [#tpu.dimension_semantics<core_parallel>, #tpu.dimension_semantics<subcore_parallel>], iteration_bounds = array<i64: 2, 16>, scalar_prefetch = 0 : i64, scratch_operands = 6 : i64, tpu.core_type = #tpu.core_type<sc_vector_subcore>, window_params = [{transform_indices = #map}, {transform_indices = #map}, {transform_indices = #map1}, {transform_indices = #map1}, {transform_indices = #map1}, {transform_indices = #map1}]} {
    %mul3A = arith.constant 2 : i32
    %mul3A_0 = arith.muli %arg1, %mul3A : i32
    %add3A = arith.addi %mul3A_0, %arg0 : i32
    %mul3A_1 = arith.constant 128 : i32
    %mul3A_2 = arith.muli %add3A, %mul3A_1 : i32
    "tpu.region"() ({
      %run_scoped3A = tpu.sem_alloc : memref<!tpu.dma_semaphore, #tpu.memory_space<semaphore_mem>>
      %dma_start3A = tpu.memref_slice %arg2[%mul3A_2] : memref<4096xi32, #tpu.memory_space<hbm>> -> memref<128xi32, #tpu.memory_space<hbm>>
      %dma_start3A_19 = tpu.memref_slice %arg2[%mul3A_2] : memref<4096xi32, #tpu.memory_space<hbm>> -> memref<128xi32, #tpu.memory_space<hbm>>
      tpu.enqueue_dma source(%dma_start3A_19 : memref<128xi32, #tpu.memory_space<hbm>>) target(%arg8 : memref<128xi32, #tpu.memory_space<vmem>>) target_semaphore(%run_scoped3A : memref<!tpu.dma_semaphore, #tpu.memory_space<semaphore_mem>>)
      %dma_wait3A_20 = tpu.memref_slice %arg2[%mul3A_2] : memref<4096xi32, #tpu.memory_space<hbm>> -> memref<128xi32, #tpu.memory_space<hbm>>
      %dma_wait3A_21 = tpu.memref_slice %arg2[%mul3A_2] : memref<4096xi32, #tpu.memory_space<hbm>> -> memref<128xi32, #tpu.memory_space<hbm>>
      tpu.wait_dma2 semaphore(%run_scoped3A : memref<!tpu.dma_semaphore, #tpu.memory_space<semaphore_mem>>) src(%dma_wait3A_21 : memref<128xi32, #tpu.memory_space<hbm>>) dst(%arg8 : memref<128xi32, #tpu.memory_space<vmem>>)
      tpu.yield
    }) : () -> ()
    "tpu.region"() ({
      %run_scoped3A = tpu.sem_alloc : memref<!tpu.dma_semaphore, #tpu.memory_space<semaphore_mem>>
      %dma_start3A = tpu.memref_slice %arg3[%mul3A_2] : memref<4096xi32, #tpu.memory_space<hbm>> -> memref<128xi32, #tpu.memory_space<hbm>>
      %dma_start3A_19 = tpu.memref_slice %arg3[%mul3A_2] : memref<4096xi32, #tpu.memory_space<hbm>> -> memref<128xi32, #tpu.memory_space<hbm>>
      tpu.enqueue_dma source(%dma_start3A_19 : memref<128xi32, #tpu.memory_space<hbm>>) target(%arg9 : memref<128xi32, #tpu.memory_space<vmem>>) target_semaphore(%run_scoped3A : memref<!tpu.dma_semaphore, #tpu.memory_space<semaphore_mem>>)
      %dma_wait3A_20 = tpu.memref_slice %arg3[%mul3A_2] : memref<4096xi32, #tpu.memory_space<hbm>> -> memref<128xi32, #tpu.memory_space<hbm>>
      %dma_wait3A_21 = tpu.memref_slice %arg3[%mul3A_2] : memref<4096xi32, #tpu.memory_space<hbm>> -> memref<128xi32, #tpu.memory_space<hbm>>
      tpu.wait_dma2 semaphore(%run_scoped3A : memref<!tpu.dma_semaphore, #tpu.memory_space<semaphore_mem>>) src(%dma_wait3A_21 : memref<128xi32, #tpu.memory_space<hbm>>) dst(%arg9 : memref<128xi32, #tpu.memory_space<vmem>>)
      tpu.yield
    }) : () -> ()
    %iota3A = tpu.iota {dimensions = array<i32: 0>} : vector<16xi32>
    %scan3A = arith.constant 0 : i32
    %scan3A_3 = arith.constant 0 : i32
    %scan3A_4 = arith.constant 8 : i32
    %scan3A_5 = arith.addi %scan3A_3, %scan3A_4 : i32
    %scan3A_6 = arith.constant 1 : i32
    scf.for %scan3A_19 = %scan3A_3 to %scan3A_5 step %scan3A_6  : i32 {
      %mul3A_20 = arith.constant 16 : i32
      %mul3A_21 = arith.muli %scan3A_19, %mul3A_20 : i32
      %get3A = arith.index_cast %mul3A_21 : i32 to index
      %get3A_22 = tpu.vector_load %arg8[%get3A] {strides = array<i32>} : memref<128xi32, #tpu.memory_space<vmem>>, vector<16xi32>,
      %get3A_23 = arith.index_cast %mul3A_21 : i32 to index
      %get3A_24 = tpu.vector_load %arg9[%get3A_23] {strides = array<i32>} : memref<128xi32, #tpu.memory_space<vmem>>, vector<16xi32>,
      %eq3A = arith.constant 0 : i32
      %eq3A_25 = vector.broadcast %eq3A : i32 to vector<16xi32>
      %eq3A_26 = arith.cmpi eq, %iota3A, %eq3A_25 : vector<16xi32>
      %jit3A = arith.constant 0 : i32
      %broadcast_in_dim3A = vector.broadcast %jit3A : i32 to vector<16xi32>
      %select_n3A = arith.select %eq3A_26, %get3A_22, %broadcast_in_dim3A : vector<16xi1>, vector<16xi32>
      %reduce_sum3A = arith.constant true
      %reduce_sum3A_27 = vector.broadcast %reduce_sum3A : i1 to vector<16xi1>
      %reduce_sum3A_28 = tpu.scan <sum>, %select_n3A masked %reduce_sum3A_27 : vector<16xi32>, vector<16xi1> -> vector<16xi32>
      %reduce_sum3A_29 = vector.extract %reduce_sum3A_28[15] : i32 from vector<16xi32>
      %jit3A_30 = arith.constant 0 : i32
      %broadcast_in_dim3A_31 = vector.broadcast %jit3A_30 : i32 to vector<16xi32>
      %select_n3A_32 = arith.select %eq3A_26, %get3A_24, %broadcast_in_dim3A_31 : vector<16xi1>, vector<16xi32>
      %reduce_sum3A_33 = arith.constant true
      %reduce_sum3A_34 = vector.broadcast %reduce_sum3A_33 : i1 to vector<16xi1>
      %reduce_sum3A_35 = tpu.scan <sum>, %select_n3A_32 masked %reduce_sum3A_34 : vector<16xi32>, vector<16xi1> -> vector<16xi32>
      %reduce_sum3A_36 = vector.extract %reduce_sum3A_35[15] : i32 from vector<16xi32>
      %add3A_37 = arith.constant 0 : i32
      %add3A_38 = arith.addi %mul3A_21, %add3A_37 : i32
      %dma_start3A = arith.constant 0 : i32
      %dma_start3A_39 = tpu.memref_slice %arg10[%add3A_38, %dma_start3A] : memref<128x32xf32, #tpu.memory_space<vmem>> -> memref<1x32xf32, #tpu.memory_space<vmem>>
      %dma_start3A_40 = arith.constant 0 : i32
      %dma_start3A_41 = tpu.memref_slice %arg4[%reduce_sum3A_29, %dma_start3A_40] : memref<1000001x32xf32, #tpu.memory_space<hbm>> -> memref<1x32xf32, #tpu.memory_space<hbm>>
      %dma_start3A_42 = arith.constant 0 : i32
      %dma_start3A_43 = tpu.memref_slice %arg10[%add3A_38, %dma_start3A_42] : memref<128x32xf32, #tpu.memory_space<vmem>> -> memref<1x32xf32, #tpu.memory_space<vmem>>
      %dma_start3A_44 = arith.constant 0 : i32
      %dma_start3A_45 = tpu.memref_slice %arg4[%reduce_sum3A_29, %dma_start3A_44] : memref<1000001x32xf32, #tpu.memory_space<hbm>> -> memref<1x32xf32, #tpu.memory_space<hbm>>
      tpu.enqueue_dma source(%dma_start3A_45 : memref<1x32xf32, #tpu.memory_space<hbm>>) target(%dma_start3A_43 : memref<1x32xf32, #tpu.memory_space<vmem>>) target_semaphore(%arg12 : memref<!tpu.dma_semaphore, #tpu.memory_space<semaphore_mem>>)
      %add3A_46 = arith.constant 0 : i32
      %add3A_47 = arith.addi %mul3A_21, %add3A_46 : i32
      %dma_start3A_48 = arith.constant 0 : i32
      %dma_start3A_49 = tpu.memref_slice %arg11[%add3A_47, %dma_start3A_48] : memref<128x32xf32, #tpu.memory_space<vmem>> -> memref<1x32xf32, #tpu.memory_space<vmem>>
      %dma_start3A_50 = arith.constant 0 : i32
      %dma_start3A_51 = tpu.memref_slice %arg5[%reduce_sum3A_36, %dma_start3A_50] : memref<100001x32xf32, #tpu.memory_space<hbm>> -> memref<1x32xf32, #tpu.memory_space<hbm>>
      %dma_start3A_52 = arith.constant 0 : i32
      %dma_start3A_53 = tpu.memref_slice %arg11[%add3A_47, %dma_start3A_52] : memref<128x32xf32, #tpu.memory_space<vmem>> -> memref<1x32xf32, #tpu.memory_space<vmem>>
      %dma_start3A_54 = arith.constant 0 : i32
      %dma_start3A_55 = tpu.memref_slice %arg5[%reduce_sum3A_36, %dma_start3A_54] : memref<100001x32xf32, #tpu.memory_space<hbm>> -> memref<1x32xf32, #tpu.memory_space<hbm>>
      tpu.enqueue_dma source(%dma_start3A_55 : memref<1x32xf32, #tpu.memory_space<hbm>>) target(%dma_start3A_53 : memref<1x32xf32, #tpu.memory_space<vmem>>) target_semaphore(%arg13 : memref<!tpu.dma_semaphore, #tpu.memory_space<semaphore_mem>>)
      %eq3A_56 = arith.constant 1 : i32
      %eq3A_57 = vector.broadcast %eq3A_56 : i32 to vector<16xi32>
      %eq3A_58 = arith.cmpi eq, %iota3A, %eq3A_57 : vector<16xi32>
      %jit3A_59 = arith.constant 0 : i32
      %broadcast_in_dim3A_60 = vector.broadcast %jit3A_59 : i32 to vector<16xi32>
      %select_n3A_61 = arith.select %eq3A_58, %get3A_22, %broadcast_in_dim3A_60 : vector<16xi1>, vector<16xi32>
      %reduce_sum3A_62 = arith.constant true
      %reduce_sum3A_63 = vector.broadcast %reduce_sum3A_62 : i1 to vector<16xi1>
      %reduce_sum3A_64 = tpu.scan <sum>, %select_n3A_61 masked %reduce_sum3A_63 : vector<16xi32>, vector<16xi1> -> vector<16xi32>
      %reduce_sum3A_65 = vector.extract %reduce_sum3A_64[15] : i32 from vector<16xi32>
      %jit3A_66 = arith.constant 0 : i32
      %broadcast_in_dim3A_67 = vector.broadcast %jit3A_66 : i32 to vector<16xi32>
      %select_n3A_68 = arith.select %eq3A_58, %get3A_24, %broadcast_in_dim3A_67 : vector<16xi1>, vector<16xi32>
      %reduce_sum3A_69 = arith.constant true
      %reduce_sum3A_70 = vector.broadcast %reduce_sum3A_69 : i1 to vector<16xi1>
      %reduce_sum3A_71 = tpu.scan <sum>, %select_n3A_68 masked %reduce_sum3A_70 : vector<16xi32>, vector<16xi1> -> vector<16xi32>
      %reduce_sum3A_72 = vector.extract %reduce_sum3A_71[15] : i32 from vector<16xi32>
      %add3A_73 = arith.constant 1 : i32
      %add3A_74 = arith.addi %mul3A_21, %add3A_73 : i32
      %dma_start3A_75 = arith.constant 0 : i32
      %dma_start3A_76 = tpu.memref_slice %arg10[%add3A_74, %dma_start3A_75] : memref<128x32xf32, #tpu.memory_space<vmem>> -> memref<1x32xf32, #tpu.memory_space<vmem>>
      %dma_start3A_77 = arith.constant 0 : i32
      %dma_start3A_78 = tpu.memref_slice %arg4[%reduce_sum3A_65, %dma_start3A_77] : memref<1000001x32xf32, #tpu.memory_space<hbm>> -> memref<1x32xf32, #tpu.memory_space<hbm>>
      %dma_start3A_79 = arith.constant 0 : i32
      %dma_start3A_80 = tpu.memref_slice %arg10[%add3A_74, %dma_start3A_79] : memref<128x32xf32, #tpu.memory_space<vmem>> -> memref<1x32xf32, #tpu.memory_space<vmem>>
      %dma_start3A_81 = arith.constant 0 : i32
      %dma_start3A_82 = tpu.memref_slice %arg4[%reduce_sum3A_65, %dma_start3A_81] : memref<1000001x32xf32, #tpu.memory_space<hbm>> -> memref<1x32xf32, #tpu.memory_space<hbm>>
      tpu.enqueue_dma source(%dma_start3A_82 : memref<1x32xf32, #tpu.memory_space<hbm>>) target(%dma_start3A_80 : memref<1x32xf32, #tpu.memory_space<vmem>>) target_semaphore(%arg12 : memref<!tpu.dma_semaphore, #tpu.memory_space<semaphore_mem>>)
      %add3A_83 = arith.constant 1 : i32
      %add3A_84 = arith.addi %mul3A_21, %add3A_83 : i32
      %dma_start3A_85 = arith.constant 0 : i32
      %dma_start3A_86 = tpu.memref_slice %arg11[%add3A_84, %dma_start3A_85] : memref<128x32xf32, #tpu.memory_space<vmem>> -> memref<1x32xf32, #tpu.memory_space<vmem>>
      %dma_start3A_87 = arith.constant 0 : i32
      %dma_start3A_88 = tpu.memref_slice %arg5[%reduce_sum3A_72, %dma_start3A_87] : memref<100001x32xf32, #tpu.memory_space<hbm>> -> memref<1x32xf32, #tpu.memory_space<hbm>>
      %dma_start3A_89 = arith.constant 0 : i32
      %dma_start3A_90 = tpu.memref_slice %arg11[%add3A_84, %dma_start3A_89] : memref<128x32xf32, #tpu.memory_space<vmem>> -> memref<1x32xf32, #tpu.memory_space<vmem>>
      %dma_start3A_91 = arith.constant 0 : i32
      %dma_start3A_92 = tpu.memref_slice %arg5[%reduce_sum3A_72, %dma_start3A_91] : memref<100001x32xf32, #tpu.memory_space<hbm>> -> memref<1x32xf32, #tpu.memory_space<hbm>>
      tpu.enqueue_dma source(%dma_start3A_92 : memref<1x32xf32, #tpu.memory_space<hbm>>) target(%dma_start3A_90 : memref<1x32xf32, #tpu.memory_space<vmem>>) target_semaphore(%arg13 : memref<!tpu.dma_semaphore, #tpu.memory_space<semaphore_mem>>)
      %eq3A_93 = arith.constant 2 : i32
      %eq3A_94 = vector.broadcast %eq3A_93 : i32 to vector<16xi32>
      %eq3A_95 = arith.cmpi eq, %iota3A, %eq3A_94 : vector<16xi32>
      %jit3A_96 = arith.constant 0 : i32
      %broadcast_in_dim3A_97 = vector.broadcast %jit3A_96 : i32 to vector<16xi32>
      %select_n3A_98 = arith.select %eq3A_95, %get3A_22, %broadcast_in_dim3A_97 : vector<16xi1>, vector<16xi32>
      %reduce_sum3A_99 = arith.constant true
      %reduce_sum3A_100 = vector.broadcast %reduce_sum3A_99 : i1 to vector<16xi1>
      %reduce_sum3A_101 = tpu.scan <sum>, %select_n3A_98 masked %reduce_sum3A_100 : vector<16xi32>, vector<16xi1> -> vector<16xi32>
      %reduce_sum3A_102 = vector.extract %reduce_sum3A_101[15] : i32 from vector<16xi32>
      %jit3A_103 = arith.constant 0 : i32
      %broadcast_in_dim3A_104 = vector.broadcast %jit3A_103 : i32 to vector<16xi32>
      %select_n3A_105 = arith.select %eq3A_95, %get3A_24, %broadcast_in_dim3A_104 : vector<16xi1>, vector<16xi32>
      %reduce_sum3A_106 = arith.constant true
      %reduce_sum3A_107 = vector.broadcast %reduce_sum3A_106 : i1 to vector<16xi1>
      %reduce_sum3A_108 = tpu.scan <sum>, %select_n3A_105 masked %reduce_sum3A_107 : vector<16xi32>, vector<16xi1> -> vector<16xi32>
      %reduce_sum3A_109 = vector.extract %reduce_sum3A_108[15] : i32 from vector<16xi32>
      %add3A_110 = arith.constant 2 : i32
      %add3A_111 = arith.addi %mul3A_21, %add3A_110 : i32
      %dma_start3A_112 = arith.constant 0 : i32
      %dma_start3A_113 = tpu.memref_slice %arg10[%add3A_111, %dma_start3A_112] : memref<128x32xf32, #tpu.memory_space<vmem>> -> memref<1x32xf32, #tpu.memory_space<vmem>>
      %dma_start3A_114 = arith.constant 0 : i32
      %dma_start3A_115 = tpu.memref_slice %arg4[%reduce_sum3A_102, %dma_start3A_114] : memref<1000001x32xf32, #tpu.memory_space<hbm>> -> memref<1x32xf32, #tpu.memory_space<hbm>>
      %dma_start3A_116 = arith.constant 0 : i32
      %dma_start3A_117 = tpu.memref_slice %arg10[%add3A_111, %dma_start3A_116] : memref<128x32xf32, #tpu.memory_space<vmem>> -> memref<1x32xf32, #tpu.memory_space<vmem>>
      %dma_start3A_118 = arith.constant 0 : i32
      %dma_start3A_119 = tpu.memref_slice %arg4[%reduce_sum3A_102, %dma_start3A_118] : memref<1000001x32xf32, #tpu.memory_space<hbm>> -> memref<1x32xf32, #tpu.memory_space<hbm>>
      tpu.enqueue_dma source(%dma_start3A_119 : memref<1x32xf32, #tpu.memory_space<hbm>>) target(%dma_start3A_117 : memref<1x32xf32, #tpu.memory_space<vmem>>) target_semaphore(%arg12 : memref<!tpu.dma_semaphore, #tpu.memory_space<semaphore_mem>>)
      %add3A_120 = arith.constant 2 : i32
      %add3A_121 = arith.addi %mul3A_21, %add3A_120 : i32
      %dma_start3A_122 = arith.constant 0 : i32
      %dma_start3A_123 = tpu.memref_slice %arg11[%add3A_121, %dma_start3A_122] : memref<128x32xf32, #tpu.memory_space<vmem>> -> memref<1x32xf32, #tpu.memory_space<vmem>>
      %dma_start3A_124 = arith.constant 0 : i32
      %dma_start3A_125 = tpu.memref_slice %arg5[%reduce_sum3A_109, %dma_start3A_124] : memref<100001x32xf32, #tpu.memory_space<hbm>> -> memref<1x32xf32, #tpu.memory_space<hbm>>
      %dma_start3A_126 = arith.constant 0 : i32
      %dma_start3A_127 = tpu.memref_slice %arg11[%add3A_121, %dma_start3A_126] : memref<128x32xf32, #tpu.memory_space<vmem>> -> memref<1x32xf32, #tpu.memory_space<vmem>>
      %dma_start3A_128 = arith.constant 0 : i32
      %dma_start3A_129 = tpu.memref_slice %arg5[%reduce_sum3A_109, %dma_start3A_128] : memref<100001x32xf32, #tpu.memory_space<hbm>> -> memref<1x32xf32, #tpu.memory_space<hbm>>
      tpu.enqueue_dma source(%dma_start3A_129 : memref<1x32xf32, #tpu.memory_space<hbm>>) target(%dma_start3A_127 : memref<1x32xf32, #tpu.memory_space<vmem>>) target_semaphore(%arg13 : memref<!tpu.dma_semaphore, #tpu.memory_space<semaphore_mem>>)
      %eq3A_130 = arith.constant 3 : i32
      %eq3A_131 = vector.broadcast %eq3A_130 : i32 to vector<16xi32>
      %eq3A_132 = arith.cmpi eq, %iota3A, %eq3A_131 : vector<16xi32>
      %jit3A_133 = arith.constant 0 : i32
      %broadcast_in_dim3A_134 = vector.broadcast %jit3A_133 : i32 to vector<16xi32>
      %select_n3A_135 = arith.select %eq3A_132, %get3A_22, %broadcast_in_dim3A_134 : vector<16xi1>, vector<16xi32>
      %reduce_sum3A_136 = arith.constant true
      %reduce_sum3A_137 = vector.broadcast %reduce_sum3A_136 : i1 to vector<16xi1>
      %reduce_sum3A_138 = tpu.scan <sum>, %select_n3A_135 masked %reduce_sum3A_137 : vector<16xi32>, vector<16xi1> -> vector<16xi32>
      %reduce_sum3A_139 = vector.extract %reduce_sum3A_138[15] : i32 from vector<16xi32>
      %jit3A_140 = arith.constant 0 : i32
      %broadcast_in_dim3A_141 = vector.broadcast %jit3A_140 : i32 to vector<16xi32>
      %select_n3A_142 = arith.select %eq3A_132, %get3A_24, %broadcast_in_dim3A_141 : vector<16xi1>, vector<16xi32>
      %reduce_sum3A_143 = arith.constant true
      %reduce_sum3A_144 = vector.broadcast %reduce_sum3A_143 : i1 to vector<16xi1>
      %reduce_sum3A_145 = tpu.scan <sum>, %select_n3A_142 masked %reduce_sum3A_144 : vector<16xi32>, vector<16xi1> -> vector<16xi32>
      %reduce_sum3A_146 = vector.extract %reduce_sum3A_145[15] : i32 from vector<16xi32>
      %add3A_147 = arith.constant 3 : i32
      %add3A_148 = arith.addi %mul3A_21, %add3A_147 : i32
      %dma_start3A_149 = arith.constant 0 : i32
      %dma_start3A_150 = tpu.memref_slice %arg10[%add3A_148, %dma_start3A_149] : memref<128x32xf32, #tpu.memory_space<vmem>> -> memref<1x32xf32, #tpu.memory_space<vmem>>
      %dma_start3A_151 = arith.constant 0 : i32
      %dma_start3A_152 = tpu.memref_slice %arg4[%reduce_sum3A_139, %dma_start3A_151] : memref<1000001x32xf32, #tpu.memory_space<hbm>> -> memref<1x32xf32, #tpu.memory_space<hbm>>
      %dma_start3A_153 = arith.constant 0 : i32
      %dma_start3A_154 = tpu.memref_slice %arg10[%add3A_148, %dma_start3A_153] : memref<128x32xf32, #tpu.memory_space<vmem>> -> memref<1x32xf32, #tpu.memory_space<vmem>>
      %dma_start3A_155 = arith.constant 0 : i32
      %dma_start3A_156 = tpu.memref_slice %arg4[%reduce_sum3A_139, %dma_start3A_155] : memref<1000001x32xf32, #tpu.memory_space<hbm>> -> memref<1x32xf32, #tpu.memory_space<hbm>>
      tpu.enqueue_dma source(%dma_start3A_156 : memref<1x32xf32, #tpu.memory_space<hbm>>) target(%dma_start3A_154 : memref<1x32xf32, #tpu.memory_space<vmem>>) target_semaphore(%arg12 : memref<!tpu.dma_semaphore, #tpu.memory_space<semaphore_mem>>)
      %add3A_157 = arith.constant 3 : i32
      %add3A_158 = arith.addi %mul3A_21, %add3A_157 : i32
      %dma_start3A_159 = arith.constant 0 : i32
      %dma_start3A_160 = tpu.memref_slice %arg11[%add3A_158, %dma_start3A_159] : memref<128x32xf32, #tpu.memory_space<vmem>> -> memref<1x32xf32, #tpu.memory_space<vmem>>
      %dma_start3A_161 = arith.constant 0 : i32
      %dma_start3A_162 = tpu.memref_slice %arg5[%reduce_sum3A_146, %dma_start3A_161] : memref<100001x32xf32, #tpu.memory_space<hbm>> -> memref<1x32xf32, #tpu.memory_space<hbm>>
      %dma_start3A_163 = arith.constant 0 : i32
      %dma_start3A_164 = tpu.memref_slice %arg11[%add3A_158, %dma_start3A_163] : memref<128x32xf32, #tpu.memory_space<vmem>> -> memref<1x32xf32, #tpu.memory_space<vmem>>
      %dma_start3A_165 = arith.constant 0 : i32
      %dma_start3A_166 = tpu.memref_slice %arg5[%reduce_sum3A_146, %dma_start3A_165] : memref<100001x32xf32, #tpu.memory_space<hbm>> -> memref<1x32xf32, #tpu.memory_space<hbm>>
      tpu.enqueue_dma source(%dma_start3A_166 : memref<1x32xf32, #tpu.memory_space<hbm>>) target(%dma_start3A_164 : memref<1x32xf32, #tpu.memory_space<vmem>>) target_semaphore(%arg13 : memref<!tpu.dma_semaphore, #tpu.memory_space<semaphore_mem>>)
      %eq3A_167 = arith.constant 4 : i32
      %eq3A_168 = vector.broadcast %eq3A_167 : i32 to vector<16xi32>
      %eq3A_169 = arith.cmpi eq, %iota3A, %eq3A_168 : vector<16xi32>
      %jit3A_170 = arith.constant 0 : i32
      %broadcast_in_dim3A_171 = vector.broadcast %jit3A_170 : i32 to vector<16xi32>
      %select_n3A_172 = arith.select %eq3A_169, %get3A_22, %broadcast_in_dim3A_171 : vector<16xi1>, vector<16xi32>
      %reduce_sum3A_173 = arith.constant true
      %reduce_sum3A_174 = vector.broadcast %reduce_sum3A_173 : i1 to vector<16xi1>
      %reduce_sum3A_175 = tpu.scan <sum>, %select_n3A_172 masked %reduce_sum3A_174 : vector<16xi32>, vector<16xi1> -> vector<16xi32>
      %reduce_sum3A_176 = vector.extract %reduce_sum3A_175[15] : i32 from vector<16xi32>
      %jit3A_177 = arith.constant 0 : i32
      %broadcast_in_dim3A_178 = vector.broadcast %jit3A_177 : i32 to vector<16xi32>
      %select_n3A_179 = arith.select %eq3A_169, %get3A_24, %broadcast_in_dim3A_178 : vector<16xi1>, vector<16xi32>
      %reduce_sum3A_180 = arith.constant true
      %reduce_sum3A_181 = vector.broadcast %reduce_sum3A_180 : i1 to vector<16xi1>
      %reduce_sum3A_182 = tpu.scan <sum>, %select_n3A_179 masked %reduce_sum3A_181 : vector<16xi32>, vector<16xi1> -> vector<16xi32>
      %reduce_sum3A_183 = vector.extract %reduce_sum3A_182[15] : i32 from vector<16xi32>
      %add3A_184 = arith.constant 4 : i32
      %add3A_185 = arith.addi %mul3A_21, %add3A_184 : i32
      %dma_start3A_186 = arith.constant 0 : i32
      %dma_start3A_187 = tpu.memref_slice %arg10[%add3A_185, %dma_start3A_186] : memref<128x32xf32, #tpu.memory_space<vmem>> -> memref<1x32xf32, #tpu.memory_space<vmem>>
      %dma_start3A_188 = arith.constant 0 : i32
      %dma_start3A_189 = tpu.memref_slice %arg4[%reduce_sum3A_176, %dma_start3A_188] : memref<1000001x32xf32, #tpu.memory_space<hbm>> -> memref<1x32xf32, #tpu.memory_space<hbm>>
      %dma_start3A_190 = arith.constant 0 : i32
      %dma_start3A_191 = tpu.memref_slice %arg10[%add3A_185, %dma_start3A_190] : memref<128x32xf32, #tpu.memory_space<vmem>> -> memref<1x32xf32, #tpu.memory_space<vmem>>
      %dma_start3A_192 = arith.constant 0 : i32
      %dma_start3A_193 = tpu.memref_slice %arg4[%reduce_sum3A_176, %dma_start3A_192] : memref<1000001x32xf32, #tpu.memory_space<hbm>> -> memref<1x32xf32, #tpu.memory_space<hbm>>
      tpu.enqueue_dma source(%dma_start3A_193 : memref<1x32xf32, #tpu.memory_space<hbm>>) target(%dma_start3A_191 : memref<1x32xf32, #tpu.memory_space<vmem>>) target_semaphore(%arg12 : memref<!tpu.dma_semaphore, #tpu.memory_space<semaphore_mem>>)
      %add3A_194 = arith.constant 4 : i32
      %add3A_195 = arith.addi %mul3A_21, %add3A_194 : i32
      %dma_start3A_196 = arith.constant 0 : i32
      %dma_start3A_197 = tpu.memref_slice %arg11[%add3A_195, %dma_start3A_196] : memref<128x32xf32, #tpu.memory_space<vmem>> -> memref<1x32xf32, #tpu.memory_space<vmem>>
      %dma_start3A_198 = arith.constant 0 : i32
      %dma_start3A_199 = tpu.memref_slice %arg5[%reduce_sum3A_183, %dma_start3A_198] : memref<100001x32xf32, #tpu.memory_space<hbm>> -> memref<1x32xf32, #tpu.memory_space<hbm>>
      %dma_start3A_200 = arith.constant 0 : i32
      %dma_start3A_201 = tpu.memref_slice %arg11[%add3A_195, %dma_start3A_200] : memref<128x32xf32, #tpu.memory_space<vmem>> -> memref<1x32xf32, #tpu.memory_space<vmem>>
      %dma_start3A_202 = arith.constant 0 : i32
      %dma_start3A_203 = tpu.memref_slice %arg5[%reduce_sum3A_183, %dma_start3A_202] : memref<100001x32xf32, #tpu.memory_space<hbm>> -> memref<1x32xf32, #tpu.memory_space<hbm>>
      tpu.enqueue_dma source(%dma_start3A_203 : memref<1x32xf32, #tpu.memory_space<hbm>>) target(%dma_start3A_201 : memref<1x32xf32, #tpu.memory_space<vmem>>) target_semaphore(%arg13 : memref<!tpu.dma_semaphore, #tpu.memory_space<semaphore_mem>>)
      %eq3A_204 = arith.constant 5 : i32
      %eq3A_205 = vector.broadcast %eq3A_204 : i32 to vector<16xi32>
      %eq3A_206 = arith.cmpi eq, %iota3A, %eq3A_205 : vector<16xi32>
      %jit3A_207 = arith.constant 0 : i32
      %broadcast_in_dim3A_208 = vector.broadcast %jit3A_207 : i32 to vector<16xi32>
      %select_n3A_209 = arith.select %eq3A_206, %get3A_22, %broadcast_in_dim3A_208 : vector<16xi1>, vector<16xi32>
      %reduce_sum3A_210 = arith.constant true
      %reduce_sum3A_211 = vector.broadcast %reduce_sum3A_210 : i1 to vector<16xi1>
      %reduce_sum3A_212 = tpu.scan <sum>, %select_n3A_209 masked %reduce_sum3A_211 : vector<16xi32>, vector<16xi1> -> vector<16xi32>
      %reduce_sum3A_213 = vector.extract %reduce_sum3A_212[15] : i32 from vector<16xi32>
      %jit3A_214 = arith.constant 0 : i32
      %broadcast_in_dim3A_215 = vector.broadcast %jit3A_214 : i32 to vector<16xi32>
      %select_n3A_216 = arith.select %eq3A_206, %get3A_24, %broadcast_in_dim3A_215 : vector<16xi1>, vector<16xi32>
      %reduce_sum3A_217 = arith.constant true
      %reduce_sum3A_218 = vector.broadcast %reduce_sum3A_217 : i1 to vector<16xi1>
      %reduce_sum3A_219 = tpu.scan <sum>, %select_n3A_216 masked %reduce_sum3A_218 : vector<16xi32>, vector<16xi1> -> vector<16xi32>
      %reduce_sum3A_220 = vector.extract %reduce_sum3A_219[15] : i32 from vector<16xi32>
      %add3A_221 = arith.constant 5 : i32
      %add3A_222 = arith.addi %mul3A_21, %add3A_221 : i32
      %dma_start3A_223 = arith.constant 0 : i32
      %dma_start3A_224 = tpu.memref_slice %arg10[%add3A_222, %dma_start3A_223] : memref<128x32xf32, #tpu.memory_space<vmem>> -> memref<1x32xf32, #tpu.memory_space<vmem>>
      %dma_start3A_225 = arith.constant 0 : i32
      %dma_start3A_226 = tpu.memref_slice %arg4[%reduce_sum3A_213, %dma_start3A_225] : memref<1000001x32xf32, #tpu.memory_space<hbm>> -> memref<1x32xf32, #tpu.memory_space<hbm>>
      %dma_start3A_227 = arith.constant 0 : i32
      %dma_start3A_228 = tpu.memref_slice %arg10[%add3A_222, %dma_start3A_227] : memref<128x32xf32, #tpu.memory_space<vmem>> -> memref<1x32xf32, #tpu.memory_space<vmem>>
      %dma_start3A_229 = arith.constant 0 : i32
      %dma_start3A_230 = tpu.memref_slice %arg4[%reduce_sum3A_213, %dma_start3A_229] : memref<1000001x32xf32, #tpu.memory_space<hbm>> -> memref<1x32xf32, #tpu.memory_space<hbm>>
      tpu.enqueue_dma source(%dma_start3A_230 : memref<1x32xf32, #tpu.memory_space<hbm>>) target(%dma_start3A_228 : memref<1x32xf32, #tpu.memory_space<vmem>>) target_semaphore(%arg12 : memref<!tpu.dma_semaphore, #tpu.memory_space<semaphore_mem>>)
      %add3A_231 = arith.constant 5 : i32
      %add3A_232 = arith.addi %mul3A_21, %add3A_231 : i32
      %dma_start3A_233 = arith.constant 0 : i32
      %dma_start3A_234 = tpu.memref_slice %arg11[%add3A_232, %dma_start3A_233] : memref<128x32xf32, #tpu.memory_space<vmem>> -> memref<1x32xf32, #tpu.memory_space<vmem>>
      %dma_start3A_235 = arith.constant 0 : i32
      %dma_start3A_236 = tpu.memref_slice %arg5[%reduce_sum3A_220, %dma_start3A_235] : memref<100001x32xf32, #tpu.memory_space<hbm>> -> memref<1x32xf32, #tpu.memory_space<hbm>>
      %dma_start3A_237 = arith.constant 0 : i32
      %dma_start3A_238 = tpu.memref_slice %arg11[%add3A_232, %dma_start3A_237] : memref<128x32xf32, #tpu.memory_space<vmem>> -> memref<1x32xf32, #tpu.memory_space<vmem>>
      %dma_start3A_239 = arith.constant 0 : i32
      %dma_start3A_240 = tpu.memref_slice %arg5[%reduce_sum3A_220, %dma_start3A_239] : memref<100001x32xf32, #tpu.memory_space<hbm>> -> memref<1x32xf32, #tpu.memory_space<hbm>>
      tpu.enqueue_dma source(%dma_start3A_240 : memref<1x32xf32, #tpu.memory_space<hbm>>) target(%dma_start3A_238 : memref<1x32xf32, #tpu.memory_space<vmem>>) target_semaphore(%arg13 : memref<!tpu.dma_semaphore, #tpu.memory_space<semaphore_mem>>)
      %eq3A_241 = arith.constant 6 : i32
      %eq3A_242 = vector.broadcast %eq3A_241 : i32 to vector<16xi32>
      %eq3A_243 = arith.cmpi eq, %iota3A, %eq3A_242 : vector<16xi32>
      %jit3A_244 = arith.constant 0 : i32
      %broadcast_in_dim3A_245 = vector.broadcast %jit3A_244 : i32 to vector<16xi32>
      %select_n3A_246 = arith.select %eq3A_243, %get3A_22, %broadcast_in_dim3A_245 : vector<16xi1>, vector<16xi32>
      %reduce_sum3A_247 = arith.constant true
      %reduce_sum3A_248 = vector.broadcast %reduce_sum3A_247 : i1 to vector<16xi1>
      %reduce_sum3A_249 = tpu.scan <sum>, %select_n3A_246 masked %reduce_sum3A_248 : vector<16xi32>, vector<16xi1> -> vector<16xi32>
      %reduce_sum3A_250 = vector.extract %reduce_sum3A_249[15] : i32 from vector<16xi32>
      %jit3A_251 = arith.constant 0 : i32
      %broadcast_in_dim3A_252 = vector.broadcast %jit3A_251 : i32 to vector<16xi32>
      %select_n3A_253 = arith.select %eq3A_243, %get3A_24, %broadcast_in_dim3A_252 : vector<16xi1>, vector<16xi32>
      %reduce_sum3A_254 = arith.constant true
      %reduce_sum3A_255 = vector.broadcast %reduce_sum3A_254 : i1 to vector<16xi1>
      %reduce_sum3A_256 = tpu.scan <sum>, %select_n3A_253 masked %reduce_sum3A_255 : vector<16xi32>, vector<16xi1> -> vector<16xi32>
      %reduce_sum3A_257 = vector.extract %reduce_sum3A_256[15] : i32 from vector<16xi32>
      %add3A_258 = arith.constant 6 : i32
      %add3A_259 = arith.addi %mul3A_21, %add3A_258 : i32
      %dma_start3A_260 = arith.constant 0 : i32
      %dma_start3A_261 = tpu.memref_slice %arg10[%add3A_259, %dma_start3A_260] : memref<128x32xf32, #tpu.memory_space<vmem>> -> memref<1x32xf32, #tpu.memory_space<vmem>>
      %dma_start3A_262 = arith.constant 0 : i32
      %dma_start3A_263 = tpu.memref_slice %arg4[%reduce_sum3A_250, %dma_start3A_262] : memref<1000001x32xf32, #tpu.memory_space<hbm>> -> memref<1x32xf32, #tpu.memory_space<hbm>>
      %dma_start3A_264 = arith.constant 0 : i32
      %dma_start3A_265 = tpu.memref_slice %arg10[%add3A_259, %dma_start3A_264] : memref<128x32xf32, #tpu.memory_space<vmem>> -> memref<1x32xf32, #tpu.memory_space<vmem>>
      %dma_start3A_266 = arith.constant 0 : i32
      %dma_start3A_267 = tpu.memref_slice %arg4[%reduce_sum3A_250, %dma_start3A_266] : memref<1000001x32xf32, #tpu.memory_space<hbm>> -> memref<1x32xf32, #tpu.memory_space<hbm>>
      tpu.enqueue_dma source(%dma_start3A_267 : memref<1x32xf32, #tpu.memory_space<hbm>>) target(%dma_start3A_265 : memref<1x32xf32, #tpu.memory_space<vmem>>) target_semaphore(%arg12 : memref<!tpu.dma_semaphore, #tpu.memory_space<semaphore_mem>>)
      %add3A_268 = arith.constant 6 : i32
      %add3A_269 = arith.addi %mul3A_21, %add3A_268 : i32
      %dma_start3A_270 = arith.constant 0 : i32
      %dma_start3A_271 = tpu.memref_slice %arg11[%add3A_269, %dma_start3A_270] : memref<128x32xf32, #tpu.memory_space<vmem>> -> memref<1x32xf32, #tpu.memory_space<vmem>>
      %dma_start3A_272 = arith.constant 0 : i32
      %dma_start3A_273 = tpu.memref_slice %arg5[%reduce_sum3A_257, %dma_start3A_272] : memref<100001x32xf32, #tpu.memory_space<hbm>> -> memref<1x32xf32, #tpu.memory_space<hbm>>
      %dma_start3A_274 = arith.constant 0 : i32
      %dma_start3A_275 = tpu.memref_slice %arg11[%add3A_269, %dma_start3A_274] : memref<128x32xf32, #tpu.memory_space<vmem>> -> memref<1x32xf32, #tpu.memory_space<vmem>>
      %dma_start3A_276 = arith.constant 0 : i32
      %dma_start3A_277 = tpu.memref_slice %arg5[%reduce_sum3A_257, %dma_start3A_276] : memref<100001x32xf32, #tpu.memory_space<hbm>> -> memref<1x32xf32, #tpu.memory_space<hbm>>
      tpu.enqueue_dma source(%dma_start3A_277 : memref<1x32xf32, #tpu.memory_space<hbm>>) target(%dma_start3A_275 : memref<1x32xf32, #tpu.memory_space<vmem>>) target_semaphore(%arg13 : memref<!tpu.dma_semaphore, #tpu.memory_space<semaphore_mem>>)
      %eq3A_278 = arith.constant 7 : i32
      %eq3A_279 = vector.broadcast %eq3A_278 : i32 to vector<16xi32>
      %eq3A_280 = arith.cmpi eq, %iota3A, %eq3A_279 : vector<16xi32>
      %jit3A_281 = arith.constant 0 : i32
      %broadcast_in_dim3A_282 = vector.broadcast %jit3A_281 : i32 to vector<16xi32>
      %select_n3A_283 = arith.select %eq3A_280, %get3A_22, %broadcast_in_dim3A_282 : vector<16xi1>, vector<16xi32>
      %reduce_sum3A_284 = arith.constant true
      %reduce_sum3A_285 = vector.broadcast %reduce_sum3A_284 : i1 to vector<16xi1>
      %reduce_sum3A_286 = tpu.scan <sum>, %select_n3A_283 masked %reduce_sum3A_285 : vector<16xi32>, vector<16xi1> -> vector<16xi32>
      %reduce_sum3A_287 = vector.extract %reduce_sum3A_286[15] : i32 from vector<16xi32>
      %jit3A_288 = arith.constant 0 : i32
      %broadcast_in_dim3A_289 = vector.broadcast %jit3A_288 : i32 to vector<16xi32>
      %select_n3A_290 = arith.select %eq3A_280, %get3A_24, %broadcast_in_dim3A_289 : vector<16xi1>, vector<16xi32>
      %reduce_sum3A_291 = arith.constant true
      %reduce_sum3A_292 = vector.broadcast %reduce_sum3A_291 : i1 to vector<16xi1>
      %reduce_sum3A_293 = tpu.scan <sum>, %select_n3A_290 masked %reduce_sum3A_292 : vector<16xi32>, vector<16xi1> -> vector<16xi32>
      %reduce_sum3A_294 = vector.extract %reduce_sum3A_293[15] : i32 from vector<16xi32>
      %add3A_295 = arith.constant 7 : i32
      %add3A_296 = arith.addi %mul3A_21, %add3A_295 : i32
      %dma_start3A_297 = arith.constant 0 : i32
      %dma_start3A_298 = tpu.memref_slice %arg10[%add3A_296, %dma_start3A_297] : memref<128x32xf32, #tpu.memory_space<vmem>> -> memref<1x32xf32, #tpu.memory_space<vmem>>
      %dma_start3A_299 = arith.constant 0 : i32
      %dma_start3A_300 = tpu.memref_slice %arg4[%reduce_sum3A_287, %dma_start3A_299] : memref<1000001x32xf32, #tpu.memory_space<hbm>> -> memref<1x32xf32, #tpu.memory_space<hbm>>
      %dma_start3A_301 = arith.constant 0 : i32
      %dma_start3A_302 = tpu.memref_slice %arg10[%add3A_296, %dma_start3A_301] : memref<128x32xf32, #tpu.memory_space<vmem>> -> memref<1x32xf32, #tpu.memory_space<vmem>>
      %dma_start3A_303 = arith.constant 0 : i32
      %dma_start3A_304 = tpu.memref_slice %arg4[%reduce_sum3A_287, %dma_start3A_303] : memref<1000001x32xf32, #tpu.memory_space<hbm>> -> memref<1x32xf32, #tpu.memory_space<hbm>>
      tpu.enqueue_dma source(%dma_start3A_304 : memref<1x32xf32, #tpu.memory_space<hbm>>) target(%dma_start3A_302 : memref<1x32xf32, #tpu.memory_space<vmem>>) target_semaphore(%arg12 : memref<!tpu.dma_semaphore, #tpu.memory_space<semaphore_mem>>)
      %add3A_305 = arith.constant 7 : i32
      %add3A_306 = arith.addi %mul3A_21, %add3A_305 : i32
      %dma_start3A_307 = arith.constant 0 : i32
      %dma_start3A_308 = tpu.memref_slice %arg11[%add3A_306, %dma_start3A_307] : memref<128x32xf32, #tpu.memory_space<vmem>> -> memref<1x32xf32, #tpu.memory_space<vmem>>
      %dma_start3A_309 = arith.constant 0 : i32
      %dma_start3A_310 = tpu.memref_slice %arg5[%reduce_sum3A_294, %dma_start3A_309] : memref<100001x32xf32, #tpu.memory_space<hbm>> -> memref<1x32xf32, #tpu.memory_space<hbm>>
      %dma_start3A_311 = arith.constant 0 : i32
      %dma_start3A_312 = tpu.memref_slice %arg11[%add3A_306, %dma_start3A_311] : memref<128x32xf32, #tpu.memory_space<vmem>> -> memref<1x32xf32, #tpu.memory_space<vmem>>
      %dma_start3A_313 = arith.constant 0 : i32
      %dma_start3A_314 = tpu.memref_slice %arg5[%reduce_sum3A_294, %dma_start3A_313] : memref<100001x32xf32, #tpu.memory_space<hbm>> -> memref<1x32xf32, #tpu.memory_space<hbm>>
      tpu.enqueue_dma source(%dma_start3A_314 : memref<1x32xf32, #tpu.memory_space<hbm>>) target(%dma_start3A_312 : memref<1x32xf32, #tpu.memory_space<vmem>>) target_semaphore(%arg13 : memref<!tpu.dma_semaphore, #tpu.memory_space<semaphore_mem>>)
      %eq3A_315 = arith.constant 8 : i32
      %eq3A_316 = vector.broadcast %eq3A_315 : i32 to vector<16xi32>
      %eq3A_317 = arith.cmpi eq, %iota3A, %eq3A_316 : vector<16xi32>
      %jit3A_318 = arith.constant 0 : i32
      %broadcast_in_dim3A_319 = vector.broadcast %jit3A_318 : i32 to vector<16xi32>
      %select_n3A_320 = arith.select %eq3A_317, %get3A_22, %broadcast_in_dim3A_319 : vector<16xi1>, vector<16xi32>
      %reduce_sum3A_321 = arith.constant true
      %reduce_sum3A_322 = vector.broadcast %reduce_sum3A_321 : i1 to vector<16xi1>
      %reduce_sum3A_323 = tpu.scan <sum>, %select_n3A_320 masked %reduce_sum3A_322 : vector<16xi32>, vector<16xi1> -> vector<16xi32>
      %reduce_sum3A_324 = vector.extract %reduce_sum3A_323[15] : i32 from vector<16xi32>
      %jit3A_325 = arith.constant 0 : i32
      %broadcast_in_dim3A_326 = vector.broadcast %jit3A_325 : i32 to vector<16xi32>
      %select_n3A_327 = arith.select %eq3A_317, %get3A_24, %broadcast_in_dim3A_326 : vector<16xi1>, vector<16xi32>
      %reduce_sum3A_328 = arith.constant true
      %reduce_sum3A_329 = vector.broadcast %reduce_sum3A_328 : i1 to vector<16xi1>
      %reduce_sum3A_330 = tpu.scan <sum>, %select_n3A_327 masked %reduce_sum3A_329 : vector<16xi32>, vector<16xi1> -> vector<16xi32>
      %reduce_sum3A_331 = vector.extract %reduce_sum3A_330[15] : i32 from vector<16xi32>
      %add3A_332 = arith.constant 8 : i32
      %add3A_333 = arith.addi %mul3A_21, %add3A_332 : i32
      %dma_start3A_334 = arith.constant 0 : i32
      %dma_start3A_335 = tpu.memref_slice %arg10[%add3A_333, %dma_start3A_334] : memref<128x32xf32, #tpu.memory_space<vmem>> -> memref<1x32xf32, #tpu.memory_space<vmem>>
      %dma_start3A_336 = arith.constant 0 : i32
      %dma_start3A_337 = tpu.memref_slice %arg4[%reduce_sum3A_324, %dma_start3A_336] : memref<1000001x32xf32, #tpu.memory_space<hbm>> -> memref<1x32xf32, #tpu.memory_space<hbm>>
      %dma_start3A_338 = arith.constant 0 : i32
      %dma_start3A_339 = tpu.memref_slice %arg10[%add3A_333, %dma_start3A_338] : memref<128x32xf32, #tpu.memory_space<vmem>> -> memref<1x32xf32, #tpu.memory_space<vmem>>
      %dma_start3A_340 = arith.constant 0 : i32
      %dma_start3A_341 = tpu.memref_slice %arg4[%reduce_sum3A_324, %dma_start3A_340] : memref<1000001x32xf32, #tpu.memory_space<hbm>> -> memref<1x32xf32, #tpu.memory_space<hbm>>
      tpu.enqueue_dma source(%dma_start3A_341 : memref<1x32xf32, #tpu.memory_space<hbm>>) target(%dma_start3A_339 : memref<1x32xf32, #tpu.memory_space<vmem>>) target_semaphore(%arg12 : memref<!tpu.dma_semaphore, #tpu.memory_space<semaphore_mem>>)
      %add3A_342 = arith.constant 8 : i32
      %add3A_343 = arith.addi %mul3A_21, %add3A_342 : i32
      %dma_start3A_344 = arith.constant 0 : i32
      %dma_start3A_345 = tpu.memref_slice %arg11[%add3A_343, %dma_start3A_344] : memref<128x32xf32, #tpu.memory_space<vmem>> -> memref<1x32xf32, #tpu.memory_space<vmem>>
      %dma_start3A_346 = arith.constant 0 : i32
      %dma_start3A_347 = tpu.memref_slice %arg5[%reduce_sum3A_331, %dma_start3A_346] : memref<100001x32xf32, #tpu.memory_space<hbm>> -> memref<1x32xf32, #tpu.memory_space<hbm>>
      %dma_start3A_348 = arith.constant 0 : i32
      %dma_start3A_349 = tpu.memref_slice %arg11[%add3A_343, %dma_start3A_348] : memref<128x32xf32, #tpu.memory_space<vmem>> -> memref<1x32xf32, #tpu.memory_space<vmem>>
      %dma_start3A_350 = arith.constant 0 : i32
      %dma_start3A_351 = tpu.memref_slice %arg5[%reduce_sum3A_331, %dma_start3A_350] : memref<100001x32xf32, #tpu.memory_space<hbm>> -> memref<1x32xf32, #tpu.memory_space<hbm>>
      tpu.enqueue_dma source(%dma_start3A_351 : memref<1x32xf32, #tpu.memory_space<hbm>>) target(%dma_start3A_349 : memref<1x32xf32, #tpu.memory_space<vmem>>) target_semaphore(%arg13 : memref<!tpu.dma_semaphore, #tpu.memory_space<semaphore_mem>>)
      %eq3A_352 = arith.constant 9 : i32
      %eq3A_353 = vector.broadcast %eq3A_352 : i32 to vector<16xi32>
      %eq3A_354 = arith.cmpi eq, %iota3A, %eq3A_353 : vector<16xi32>
      %jit3A_355 = arith.constant 0 : i32
      %broadcast_in_dim3A_356 = vector.broadcast %jit3A_355 : i32 to vector<16xi32>
      %select_n3A_357 = arith.select %eq3A_354, %get3A_22, %broadcast_in_dim3A_356 : vector<16xi1>, vector<16xi32>
      %reduce_sum3A_358 = arith.constant true
      %reduce_sum3A_359 = vector.broadcast %reduce_sum3A_358 : i1 to vector<16xi1>
      %reduce_sum3A_360 = tpu.scan <sum>, %select_n3A_357 masked %reduce_sum3A_359 : vector<16xi32>, vector<16xi1> -> vector<16xi32>
      %reduce_sum3A_361 = vector.extract %reduce_sum3A_360[15] : i32 from vector<16xi32>
      %jit3A_362 = arith.constant 0 : i32
      %broadcast_in_dim3A_363 = vector.broadcast %jit3A_362 : i32 to vector<16xi32>
      %select_n3A_364 = arith.select %eq3A_354, %get3A_24, %broadcast_in_dim3A_363 : vector<16xi1>, vector<16xi32>
      %reduce_sum3A_365 = arith.constant true
      %reduce_sum3A_366 = vector.broadcast %reduce_sum3A_365 : i1 to vector<16xi1>
      %reduce_sum3A_367 = tpu.scan <sum>, %select_n3A_364 masked %reduce_sum3A_366 : vector<16xi32>, vector<16xi1> -> vector<16xi32>
      %reduce_sum3A_368 = vector.extract %reduce_sum3A_367[15] : i32 from vector<16xi32>
      %add3A_369 = arith.constant 9 : i32
      %add3A_370 = arith.addi %mul3A_21, %add3A_369 : i32
      %dma_start3A_371 = arith.constant 0 : i32
      %dma_start3A_372 = tpu.memref_slice %arg10[%add3A_370, %dma_start3A_371] : memref<128x32xf32, #tpu.memory_space<vmem>> -> memref<1x32xf32, #tpu.memory_space<vmem>>
      %dma_start3A_373 = arith.constant 0 : i32
      %dma_start3A_374 = tpu.memref_slice %arg4[%reduce_sum3A_361, %dma_start3A_373] : memref<1000001x32xf32, #tpu.memory_space<hbm>> -> memref<1x32xf32, #tpu.memory_space<hbm>>
      %dma_start3A_375 = arith.constant 0 : i32
      %dma_start3A_376 = tpu.memref_slice %arg10[%add3A_370, %dma_start3A_375] : memref<128x32xf32, #tpu.memory_space<vmem>> -> memref<1x32xf32, #tpu.memory_space<vmem>>
      %dma_start3A_377 = arith.constant 0 : i32
      %dma_start3A_378 = tpu.memref_slice %arg4[%reduce_sum3A_361, %dma_start3A_377] : memref<1000001x32xf32, #tpu.memory_space<hbm>> -> memref<1x32xf32, #tpu.memory_space<hbm>>
      tpu.enqueue_dma source(%dma_start3A_378 : memref<1x32xf32, #tpu.memory_space<hbm>>) target(%dma_start3A_376 : memref<1x32xf32, #tpu.memory_space<vmem>>) target_semaphore(%arg12 : memref<!tpu.dma_semaphore, #tpu.memory_space<semaphore_mem>>)
      %add3A_379 = arith.constant 9 : i32
      %add3A_380 = arith.addi %mul3A_21, %add3A_379 : i32
      %dma_start3A_381 = arith.constant 0 : i32
      %dma_start3A_382 = tpu.memref_slice %arg11[%add3A_380, %dma_start3A_381] : memref<128x32xf32, #tpu.memory_space<vmem>> -> memref<1x32xf32, #tpu.memory_space<vmem>>
      %dma_start3A_383 = arith.constant 0 : i32
      %dma_start3A_384 = tpu.memref_slice %arg5[%reduce_sum3A_368, %dma_start3A_383] : memref<100001x32xf32, #tpu.memory_space<hbm>> -> memref<1x32xf32, #tpu.memory_space<hbm>>
      %dma_start3A_385 = arith.constant 0 : i32
      %dma_start3A_386 = tpu.memref_slice %arg11[%add3A_380, %dma_start3A_385] : memref<128x32xf32, #tpu.memory_space<vmem>> -> memref<1x32xf32, #tpu.memory_space<vmem>>
      %dma_start3A_387 = arith.constant 0 : i32
      %dma_start3A_388 = tpu.memref_slice %arg5[%reduce_sum3A_368, %dma_start3A_387] : memref<100001x32xf32, #tpu.memory_space<hbm>> -> memref<1x32xf32, #tpu.memory_space<hbm>>
      tpu.enqueue_dma source(%dma_start3A_388 : memref<1x32xf32, #tpu.memory_space<hbm>>) target(%dma_start3A_386 : memref<1x32xf32, #tpu.memory_space<vmem>>) target_semaphore(%arg13 : memref<!tpu.dma_semaphore, #tpu.memory_space<semaphore_mem>>)
      %eq3A_389 = arith.constant 10 : i32
      %eq3A_390 = vector.broadcast %eq3A_389 : i32 to vector<16xi32>
      %eq3A_391 = arith.cmpi eq, %iota3A, %eq3A_390 : vector<16xi32>
      %jit3A_392 = arith.constant 0 : i32
      %broadcast_in_dim3A_393 = vector.broadcast %jit3A_392 : i32 to vector<16xi32>
      %select_n3A_394 = arith.select %eq3A_391, %get3A_22, %broadcast_in_dim3A_393 : vector<16xi1>, vector<16xi32>
      %reduce_sum3A_395 = arith.constant true
      %reduce_sum3A_396 = vector.broadcast %reduce_sum3A_395 : i1 to vector<16xi1>
      %reduce_sum3A_397 = tpu.scan <sum>, %select_n3A_394 masked %reduce_sum3A_396 : vector<16xi32>, vector<16xi1> -> vector<16xi32>
      %reduce_sum3A_398 = vector.extract %reduce_sum3A_397[15] : i32 from vector<16xi32>
      %jit3A_399 = arith.constant 0 : i32
      %broadcast_in_dim3A_400 = vector.broadcast %jit3A_399 : i32 to vector<16xi32>
      %select_n3A_401 = arith.select %eq3A_391, %get3A_24, %broadcast_in_dim3A_400 : vector<16xi1>, vector<16xi32>
      %reduce_sum3A_402 = arith.constant true
      %reduce_sum3A_403 = vector.broadcast %reduce_sum3A_402 : i1 to vector<16xi1>
      %reduce_sum3A_404 = tpu.scan <sum>, %select_n3A_401 masked %reduce_sum3A_403 : vector<16xi32>, vector<16xi1> -> vector<16xi32>
      %reduce_sum3A_405 = vector.extract %reduce_sum3A_404[15] : i32 from vector<16xi32>
      %add3A_406 = arith.constant 10 : i32
      %add3A_407 = arith.addi %mul3A_21, %add3A_406 : i32
      %dma_start3A_408 = arith.constant 0 : i32
      %dma_start3A_409 = tpu.memref_slice %arg10[%add3A_407, %dma_start3A_408] : memref<128x32xf32, #tpu.memory_space<vmem>> -> memref<1x32xf32, #tpu.memory_space<vmem>>
      %dma_start3A_410 = arith.constant 0 : i32
      %dma_start3A_411 = tpu.memref_slice %arg4[%reduce_sum3A_398, %dma_start3A_410] : memref<1000001x32xf32, #tpu.memory_space<hbm>> -> memref<1x32xf32, #tpu.memory_space<hbm>>
      %dma_start3A_412 = arith.constant 0 : i32
      %dma_start3A_413 = tpu.memref_slice %arg10[%add3A_407, %dma_start3A_412] : memref<128x32xf32, #tpu.memory_space<vmem>> -> memref<1x32xf32, #tpu.memory_space<vmem>>
      %dma_start3A_414 = arith.constant 0 : i32
      %dma_start3A_415 = tpu.memref_slice %arg4[%reduce_sum3A_398, %dma_start3A_414] : memref<1000001x32xf32, #tpu.memory_space<hbm>> -> memref<1x32xf32, #tpu.memory_space<hbm>>
      tpu.enqueue_dma source(%dma_start3A_415 : memref<1x32xf32, #tpu.memory_space<hbm>>) target(%dma_start3A_413 : memref<1x32xf32, #tpu.memory_space<vmem>>) target_semaphore(%arg12 : memref<!tpu.dma_semaphore, #tpu.memory_space<semaphore_mem>>)
      %add3A_416 = arith.constant 10 : i32
      %add3A_417 = arith.addi %mul3A_21, %add3A_416 : i32
      %dma_start3A_418 = arith.constant 0 : i32
      %dma_start3A_419 = tpu.memref_slice %arg11[%add3A_417, %dma_start3A_418] : memref<128x32xf32, #tpu.memory_space<vmem>> -> memref<1x32xf32, #tpu.memory_space<vmem>>
      %dma_start3A_420 = arith.constant 0 : i32
      %dma_start3A_421 = tpu.memref_slice %arg5[%reduce_sum3A_405, %dma_start3A_420] : memref<100001x32xf32, #tpu.memory_space<hbm>> -> memref<1x32xf32, #tpu.memory_space<hbm>>
      %dma_start3A_422 = arith.constant 0 : i32
      %dma_start3A_423 = tpu.memref_slice %arg11[%add3A_417, %dma_start3A_422] : memref<128x32xf32, #tpu.memory_space<vmem>> -> memref<1x32xf32, #tpu.memory_space<vmem>>
      %dma_start3A_424 = arith.constant 0 : i32
      %dma_start3A_425 = tpu.memref_slice %arg5[%reduce_sum3A_405, %dma_start3A_424] : memref<100001x32xf32, #tpu.memory_space<hbm>> -> memref<1x32xf32, #tpu.memory_space<hbm>>
      tpu.enqueue_dma source(%dma_start3A_425 : memref<1x32xf32, #tpu.memory_space<hbm>>) target(%dma_start3A_423 : memref<1x32xf32, #tpu.memory_space<vmem>>) target_semaphore(%arg13 : memref<!tpu.dma_semaphore, #tpu.memory_space<semaphore_mem>>)
      %eq3A_426 = arith.constant 11 : i32
      %eq3A_427 = vector.broadcast %eq3A_426 : i32 to vector<16xi32>
      %eq3A_428 = arith.cmpi eq, %iota3A, %eq3A_427 : vector<16xi32>
      %jit3A_429 = arith.constant 0 : i32
      %broadcast_in_dim3A_430 = vector.broadcast %jit3A_429 : i32 to vector<16xi32>
      %select_n3A_431 = arith.select %eq3A_428, %get3A_22, %broadcast_in_dim3A_430 : vector<16xi1>, vector<16xi32>
      %reduce_sum3A_432 = arith.constant true
      %reduce_sum3A_433 = vector.broadcast %reduce_sum3A_432 : i1 to vector<16xi1>
      %reduce_sum3A_434 = tpu.scan <sum>, %select_n3A_431 masked %reduce_sum3A_433 : vector<16xi32>, vector<16xi1> -> vector<16xi32>
      %reduce_sum3A_435 = vector.extract %reduce_sum3A_434[15] : i32 from vector<16xi32>
      %jit3A_436 = arith.constant 0 : i32
      %broadcast_in_dim3A_437 = vector.broadcast %jit3A_436 : i32 to vector<16xi32>
      %select_n3A_438 = arith.select %eq3A_428, %get3A_24, %broadcast_in_dim3A_437 : vector<16xi1>, vector<16xi32>
      %reduce_sum3A_439 = arith.constant true
      %reduce_sum3A_440 = vector.broadcast %reduce_sum3A_439 : i1 to vector<16xi1>
      %reduce_sum3A_441 = tpu.scan <sum>, %select_n3A_438 masked %reduce_sum3A_440 : vector<16xi32>, vector<16xi1> -> vector<16xi32>
      %reduce_sum3A_442 = vector.extract %reduce_sum3A_441[15] : i32 from vector<16xi32>
      %add3A_443 = arith.constant 11 : i32
      %add3A_444 = arith.addi %mul3A_21, %add3A_443 : i32
      %dma_start3A_445 = arith.constant 0 : i32
      %dma_start3A_446 = tpu.memref_slice %arg10[%add3A_444, %dma_start3A_445] : memref<128x32xf32, #tpu.memory_space<vmem>> -> memref<1x32xf32, #tpu.memory_space<vmem>>
      %dma_start3A_447 = arith.constant 0 : i32
      %dma_start3A_448 = tpu.memref_slice %arg4[%reduce_sum3A_435, %dma_start3A_447] : memref<1000001x32xf32, #tpu.memory_space<hbm>> -> memref<1x32xf32, #tpu.memory_space<hbm>>
      %dma_start3A_449 = arith.constant 0 : i32
      %dma_start3A_450 = tpu.memref_slice %arg10[%add3A_444, %dma_start3A_449] : memref<128x32xf32, #tpu.memory_space<vmem>> -> memref<1x32xf32, #tpu.memory_space<vmem>>
      %dma_start3A_451 = arith.constant 0 : i32
      %dma_start3A_452 = tpu.memref_slice %arg4[%reduce_sum3A_435, %dma_start3A_451] : memref<1000001x32xf32, #tpu.memory_space<hbm>> -> memref<1x32xf32, #tpu.memory_space<hbm>>
      tpu.enqueue_dma source(%dma_start3A_452 : memref<1x32xf32, #tpu.memory_space<hbm>>) target(%dma_start3A_450 : memref<1x32xf32, #tpu.memory_space<vmem>>) target_semaphore(%arg12 : memref<!tpu.dma_semaphore, #tpu.memory_space<semaphore_mem>>)
      %add3A_453 = arith.constant 11 : i32
      %add3A_454 = arith.addi %mul3A_21, %add3A_453 : i32
      %dma_start3A_455 = arith.constant 0 : i32
      %dma_start3A_456 = tpu.memref_slice %arg11[%add3A_454, %dma_start3A_455] : memref<128x32xf32, #tpu.memory_space<vmem>> -> memref<1x32xf32, #tpu.memory_space<vmem>>
      %dma_start3A_457 = arith.constant 0 : i32
      %dma_start3A_458 = tpu.memref_slice %arg5[%reduce_sum3A_442, %dma_start3A_457] : memref<100001x32xf32, #tpu.memory_space<hbm>> -> memref<1x32xf32, #tpu.memory_space<hbm>>
      %dma_start3A_459 = arith.constant 0 : i32
      %dma_start3A_460 = tpu.memref_slice %arg11[%add3A_454, %dma_start3A_459] : memref<128x32xf32, #tpu.memory_space<vmem>> -> memref<1x32xf32, #tpu.memory_space<vmem>>
      %dma_start3A_461 = arith.constant 0 : i32
      %dma_start3A_462 = tpu.memref_slice %arg5[%reduce_sum3A_442, %dma_start3A_461] : memref<100001x32xf32, #tpu.memory_space<hbm>> -> memref<1x32xf32, #tpu.memory_space<hbm>>
      tpu.enqueue_dma source(%dma_start3A_462 : memref<1x32xf32, #tpu.memory_space<hbm>>) target(%dma_start3A_460 : memref<1x32xf32, #tpu.memory_space<vmem>>) target_semaphore(%arg13 : memref<!tpu.dma_semaphore, #tpu.memory_space<semaphore_mem>>)
      %eq3A_463 = arith.constant 12 : i32
      %eq3A_464 = vector.broadcast %eq3A_463 : i32 to vector<16xi32>
      %eq3A_465 = arith.cmpi eq, %iota3A, %eq3A_464 : vector<16xi32>
      %jit3A_466 = arith.constant 0 : i32
      %broadcast_in_dim3A_467 = vector.broadcast %jit3A_466 : i32 to vector<16xi32>
      %select_n3A_468 = arith.select %eq3A_465, %get3A_22, %broadcast_in_dim3A_467 : vector<16xi1>, vector<16xi32>
      %reduce_sum3A_469 = arith.constant true
      %reduce_sum3A_470 = vector.broadcast %reduce_sum3A_469 : i1 to vector<16xi1>
      %reduce_sum3A_471 = tpu.scan <sum>, %select_n3A_468 masked %reduce_sum3A_470 : vector<16xi32>, vector<16xi1> -> vector<16xi32>
      %reduce_sum3A_472 = vector.extract %reduce_sum3A_471[15] : i32 from vector<16xi32>
      %jit3A_473 = arith.constant 0 : i32
      %broadcast_in_dim3A_474 = vector.broadcast %jit3A_473 : i32 to vector<16xi32>
      %select_n3A_475 = arith.select %eq3A_465, %get3A_24, %broadcast_in_dim3A_474 : vector<16xi1>, vector<16xi32>
      %reduce_sum3A_476 = arith.constant true
      %reduce_sum3A_477 = vector.broadcast %reduce_sum3A_476 : i1 to vector<16xi1>
      %reduce_sum3A_478 = tpu.scan <sum>, %select_n3A_475 masked %reduce_sum3A_477 : vector<16xi32>, vector<16xi1> -> vector<16xi32>
      %reduce_sum3A_479 = vector.extract %reduce_sum3A_478[15] : i32 from vector<16xi32>
      %add3A_480 = arith.constant 12 : i32
      %add3A_481 = arith.addi %mul3A_21, %add3A_480 : i32
      %dma_start3A_482 = arith.constant 0 : i32
      %dma_start3A_483 = tpu.memref_slice %arg10[%add3A_481, %dma_start3A_482] : memref<128x32xf32, #tpu.memory_space<vmem>> -> memref<1x32xf32, #tpu.memory_space<vmem>>
      %dma_start3A_484 = arith.constant 0 : i32
      %dma_start3A_485 = tpu.memref_slice %arg4[%reduce_sum3A_472, %dma_start3A_484] : memref<1000001x32xf32, #tpu.memory_space<hbm>> -> memref<1x32xf32, #tpu.memory_space<hbm>>
      %dma_start3A_486 = arith.constant 0 : i32
      %dma_start3A_487 = tpu.memref_slice %arg10[%add3A_481, %dma_start3A_486] : memref<128x32xf32, #tpu.memory_space<vmem>> -> memref<1x32xf32, #tpu.memory_space<vmem>>
      %dma_start3A_488 = arith.constant 0 : i32
      %dma_start3A_489 = tpu.memref_slice %arg4[%reduce_sum3A_472, %dma_start3A_488] : memref<1000001x32xf32, #tpu.memory_space<hbm>> -> memref<1x32xf32, #tpu.memory_space<hbm>>
      tpu.enqueue_dma source(%dma_start3A_489 : memref<1x32xf32, #tpu.memory_space<hbm>>) target(%dma_start3A_487 : memref<1x32xf32, #tpu.memory_space<vmem>>) target_semaphore(%arg12 : memref<!tpu.dma_semaphore, #tpu.memory_space<semaphore_mem>>)
      %add3A_490 = arith.constant 12 : i32
      %add3A_491 = arith.addi %mul3A_21, %add3A_490 : i32
      %dma_start3A_492 = arith.constant 0 : i32
      %dma_start3A_493 = tpu.memref_slice %arg11[%add3A_491, %dma_start3A_492] : memref<128x32xf32, #tpu.memory_space<vmem>> -> memref<1x32xf32, #tpu.memory_space<vmem>>
      %dma_start3A_494 = arith.constant 0 : i32
      %dma_start3A_495 = tpu.memref_slice %arg5[%reduce_sum3A_479, %dma_start3A_494] : memref<100001x32xf32, #tpu.memory_space<hbm>> -> memref<1x32xf32, #tpu.memory_space<hbm>>
      %dma_start3A_496 = arith.constant 0 : i32
      %dma_start3A_497 = tpu.memref_slice %arg11[%add3A_491, %dma_start3A_496] : memref<128x32xf32, #tpu.memory_space<vmem>> -> memref<1x32xf32, #tpu.memory_space<vmem>>
      %dma_start3A_498 = arith.constant 0 : i32
      %dma_start3A_499 = tpu.memref_slice %arg5[%reduce_sum3A_479, %dma_start3A_498] : memref<100001x32xf32, #tpu.memory_space<hbm>> -> memref<1x32xf32, #tpu.memory_space<hbm>>
      tpu.enqueue_dma source(%dma_start3A_499 : memref<1x32xf32, #tpu.memory_space<hbm>>) target(%dma_start3A_497 : memref<1x32xf32, #tpu.memory_space<vmem>>) target_semaphore(%arg13 : memref<!tpu.dma_semaphore, #tpu.memory_space<semaphore_mem>>)
      %eq3A_500 = arith.constant 13 : i32
      %eq3A_501 = vector.broadcast %eq3A_500 : i32 to vector<16xi32>
      %eq3A_502 = arith.cmpi eq, %iota3A, %eq3A_501 : vector<16xi32>
      %jit3A_503 = arith.constant 0 : i32
      %broadcast_in_dim3A_504 = vector.broadcast %jit3A_503 : i32 to vector<16xi32>
      %select_n3A_505 = arith.select %eq3A_502, %get3A_22, %broadcast_in_dim3A_504 : vector<16xi1>, vector<16xi32>
      %reduce_sum3A_506 = arith.constant true
      %reduce_sum3A_507 = vector.broadcast %reduce_sum3A_506 : i1 to vector<16xi1>
      %reduce_sum3A_508 = tpu.scan <sum>, %select_n3A_505 masked %reduce_sum3A_507 : vector<16xi32>, vector<16xi1> -> vector<16xi32>
      %reduce_sum3A_509 = vector.extract %reduce_sum3A_508[15] : i32 from vector<16xi32>
      %jit3A_510 = arith.constant 0 : i32
      %broadcast_in_dim3A_511 = vector.broadcast %jit3A_510 : i32 to vector<16xi32>
      %select_n3A_512 = arith.select %eq3A_502, %get3A_24, %broadcast_in_dim3A_511 : vector<16xi1>, vector<16xi32>
      %reduce_sum3A_513 = arith.constant true
      %reduce_sum3A_514 = vector.broadcast %reduce_sum3A_513 : i1 to vector<16xi1>
      %reduce_sum3A_515 = tpu.scan <sum>, %select_n3A_512 masked %reduce_sum3A_514 : vector<16xi32>, vector<16xi1> -> vector<16xi32>
      %reduce_sum3A_516 = vector.extract %reduce_sum3A_515[15] : i32 from vector<16xi32>
      %add3A_517 = arith.constant 13 : i32
      %add3A_518 = arith.addi %mul3A_21, %add3A_517 : i32
      %dma_start3A_519 = arith.constant 0 : i32
      %dma_start3A_520 = tpu.memref_slice %arg10[%add3A_518, %dma_start3A_519] : memref<128x32xf32, #tpu.memory_space<vmem>> -> memref<1x32xf32, #tpu.memory_space<vmem>>
      %dma_start3A_521 = arith.constant 0 : i32
      %dma_start3A_522 = tpu.memref_slice %arg4[%reduce_sum3A_509, %dma_start3A_521] : memref<1000001x32xf32, #tpu.memory_space<hbm>> -> memref<1x32xf32, #tpu.memory_space<hbm>>
      %dma_start3A_523 = arith.constant 0 : i32
      %dma_start3A_524 = tpu.memref_slice %arg10[%add3A_518, %dma_start3A_523] : memref<128x32xf32, #tpu.memory_space<vmem>> -> memref<1x32xf32, #tpu.memory_space<vmem>>
      %dma_start3A_525 = arith.constant 0 : i32
      %dma_start3A_526 = tpu.memref_slice %arg4[%reduce_sum3A_509, %dma_start3A_525] : memref<1000001x32xf32, #tpu.memory_space<hbm>> -> memref<1x32xf32, #tpu.memory_space<hbm>>
      tpu.enqueue_dma source(%dma_start3A_526 : memref<1x32xf32, #tpu.memory_space<hbm>>) target(%dma_start3A_524 : memref<1x32xf32, #tpu.memory_space<vmem>>) target_semaphore(%arg12 : memref<!tpu.dma_semaphore, #tpu.memory_space<semaphore_mem>>)
      %add3A_527 = arith.constant 13 : i32
      %add3A_528 = arith.addi %mul3A_21, %add3A_527 : i32
      %dma_start3A_529 = arith.constant 0 : i32
      %dma_start3A_530 = tpu.memref_slice %arg11[%add3A_528, %dma_start3A_529] : memref<128x32xf32, #tpu.memory_space<vmem>> -> memref<1x32xf32, #tpu.memory_space<vmem>>
      %dma_start3A_531 = arith.constant 0 : i32
      %dma_start3A_532 = tpu.memref_slice %arg5[%reduce_sum3A_516, %dma_start3A_531] : memref<100001x32xf32, #tpu.memory_space<hbm>> -> memref<1x32xf32, #tpu.memory_space<hbm>>
      %dma_start3A_533 = arith.constant 0 : i32
      %dma_start3A_534 = tpu.memref_slice %arg11[%add3A_528, %dma_start3A_533] : memref<128x32xf32, #tpu.memory_space<vmem>> -> memref<1x32xf32, #tpu.memory_space<vmem>>
      %dma_start3A_535 = arith.constant 0 : i32
      %dma_start3A_536 = tpu.memref_slice %arg5[%reduce_sum3A_516, %dma_start3A_535] : memref<100001x32xf32, #tpu.memory_space<hbm>> -> memref<1x32xf32, #tpu.memory_space<hbm>>
      tpu.enqueue_dma source(%dma_start3A_536 : memref<1x32xf32, #tpu.memory_space<hbm>>) target(%dma_start3A_534 : memref<1x32xf32, #tpu.memory_space<vmem>>) target_semaphore(%arg13 : memref<!tpu.dma_semaphore, #tpu.memory_space<semaphore_mem>>)
      %eq3A_537 = arith.constant 14 : i32
      %eq3A_538 = vector.broadcast %eq3A_537 : i32 to vector<16xi32>
      %eq3A_539 = arith.cmpi eq, %iota3A, %eq3A_538 : vector<16xi32>
      %jit3A_540 = arith.constant 0 : i32
      %broadcast_in_dim3A_541 = vector.broadcast %jit3A_540 : i32 to vector<16xi32>
      %select_n3A_542 = arith.select %eq3A_539, %get3A_22, %broadcast_in_dim3A_541 : vector<16xi1>, vector<16xi32>
      %reduce_sum3A_543 = arith.constant true
      %reduce_sum3A_544 = vector.broadcast %reduce_sum3A_543 : i1 to vector<16xi1>
      %reduce_sum3A_545 = tpu.scan <sum>, %select_n3A_542 masked %reduce_sum3A_544 : vector<16xi32>, vector<16xi1> -> vector<16xi32>
      %reduce_sum3A_546 = vector.extract %reduce_sum3A_545[15] : i32 from vector<16xi32>
      %jit3A_547 = arith.constant 0 : i32
      %broadcast_in_dim3A_548 = vector.broadcast %jit3A_547 : i32 to vector<16xi32>
      %select_n3A_549 = arith.select %eq3A_539, %get3A_24, %broadcast_in_dim3A_548 : vector<16xi1>, vector<16xi32>
      %reduce_sum3A_550 = arith.constant true
      %reduce_sum3A_551 = vector.broadcast %reduce_sum3A_550 : i1 to vector<16xi1>
      %reduce_sum3A_552 = tpu.scan <sum>, %select_n3A_549 masked %reduce_sum3A_551 : vector<16xi32>, vector<16xi1> -> vector<16xi32>
      %reduce_sum3A_553 = vector.extract %reduce_sum3A_552[15] : i32 from vector<16xi32>
      %add3A_554 = arith.constant 14 : i32
      %add3A_555 = arith.addi %mul3A_21, %add3A_554 : i32
      %dma_start3A_556 = arith.constant 0 : i32
      %dma_start3A_557 = tpu.memref_slice %arg10[%add3A_555, %dma_start3A_556] : memref<128x32xf32, #tpu.memory_space<vmem>> -> memref<1x32xf32, #tpu.memory_space<vmem>>
      %dma_start3A_558 = arith.constant 0 : i32
      %dma_start3A_559 = tpu.memref_slice %arg4[%reduce_sum3A_546, %dma_start3A_558] : memref<1000001x32xf32, #tpu.memory_space<hbm>> -> memref<1x32xf32, #tpu.memory_space<hbm>>
      %dma_start3A_560 = arith.constant 0 : i32
      %dma_start3A_561 = tpu.memref_slice %arg10[%add3A_555, %dma_start3A_560] : memref<128x32xf32, #tpu.memory_space<vmem>> -> memref<1x32xf32, #tpu.memory_space<vmem>>
      %dma_start3A_562 = arith.constant 0 : i32
      %dma_start3A_563 = tpu.memref_slice %arg4[%reduce_sum3A_546, %dma_start3A_562] : memref<1000001x32xf32, #tpu.memory_space<hbm>> -> memref<1x32xf32, #tpu.memory_space<hbm>>
      tpu.enqueue_dma source(%dma_start3A_563 : memref<1x32xf32, #tpu.memory_space<hbm>>) target(%dma_start3A_561 : memref<1x32xf32, #tpu.memory_space<vmem>>) target_semaphore(%arg12 : memref<!tpu.dma_semaphore, #tpu.memory_space<semaphore_mem>>)
      %add3A_564 = arith.constant 14 : i32
      %add3A_565 = arith.addi %mul3A_21, %add3A_564 : i32
      %dma_start3A_566 = arith.constant 0 : i32
      %dma_start3A_567 = tpu.memref_slice %arg11[%add3A_565, %dma_start3A_566] : memref<128x32xf32, #tpu.memory_space<vmem>> -> memref<1x32xf32, #tpu.memory_space<vmem>>
      %dma_start3A_568 = arith.constant 0 : i32
      %dma_start3A_569 = tpu.memref_slice %arg5[%reduce_sum3A_553, %dma_start3A_568] : memref<100001x32xf32, #tpu.memory_space<hbm>> -> memref<1x32xf32, #tpu.memory_space<hbm>>
      %dma_start3A_570 = arith.constant 0 : i32
      %dma_start3A_571 = tpu.memref_slice %arg11[%add3A_565, %dma_start3A_570] : memref<128x32xf32, #tpu.memory_space<vmem>> -> memref<1x32xf32, #tpu.memory_space<vmem>>
      %dma_start3A_572 = arith.constant 0 : i32
      %dma_start3A_573 = tpu.memref_slice %arg5[%reduce_sum3A_553, %dma_start3A_572] : memref<100001x32xf32, #tpu.memory_space<hbm>> -> memref<1x32xf32, #tpu.memory_space<hbm>>
      tpu.enqueue_dma source(%dma_start3A_573 : memref<1x32xf32, #tpu.memory_space<hbm>>) target(%dma_start3A_571 : memref<1x32xf32, #tpu.memory_space<vmem>>) target_semaphore(%arg13 : memref<!tpu.dma_semaphore, #tpu.memory_space<semaphore_mem>>)
      %eq3A_574 = arith.constant 15 : i32
      %eq3A_575 = vector.broadcast %eq3A_574 : i32 to vector<16xi32>
      %eq3A_576 = arith.cmpi eq, %iota3A, %eq3A_575 : vector<16xi32>
      %jit3A_577 = arith.constant 0 : i32
      %broadcast_in_dim3A_578 = vector.broadcast %jit3A_577 : i32 to vector<16xi32>
      %select_n3A_579 = arith.select %eq3A_576, %get3A_22, %broadcast_in_dim3A_578 : vector<16xi1>, vector<16xi32>
      %reduce_sum3A_580 = arith.constant true
      %reduce_sum3A_581 = vector.broadcast %reduce_sum3A_580 : i1 to vector<16xi1>
      %reduce_sum3A_582 = tpu.scan <sum>, %select_n3A_579 masked %reduce_sum3A_581 : vector<16xi32>, vector<16xi1> -> vector<16xi32>
      %reduce_sum3A_583 = vector.extract %reduce_sum3A_582[15] : i32 from vector<16xi32>
      %jit3A_584 = arith.constant 0 : i32
      %broadcast_in_dim3A_585 = vector.broadcast %jit3A_584 : i32 to vector<16xi32>
      %select_n3A_586 = arith.select %eq3A_576, %get3A_24, %broadcast_in_dim3A_585 : vector<16xi1>, vector<16xi32>
      %reduce_sum3A_587 = arith.constant true
      %reduce_sum3A_588 = vector.broadcast %reduce_sum3A_587 : i1 to vector<16xi1>
      %reduce_sum3A_589 = tpu.scan <sum>, %select_n3A_586 masked %reduce_sum3A_588 : vector<16xi32>, vector<16xi1> -> vector<16xi32>
      %reduce_sum3A_590 = vector.extract %reduce_sum3A_589[15] : i32 from vector<16xi32>
      %add3A_591 = arith.constant 15 : i32
      %add3A_592 = arith.addi %mul3A_21, %add3A_591 : i32
      %dma_start3A_593 = arith.constant 0 : i32
      %dma_start3A_594 = tpu.memref_slice %arg10[%add3A_592, %dma_start3A_593] : memref<128x32xf32, #tpu.memory_space<vmem>> -> memref<1x32xf32, #tpu.memory_space<vmem>>
      %dma_start3A_595 = arith.constant 0 : i32
      %dma_start3A_596 = tpu.memref_slice %arg4[%reduce_sum3A_583, %dma_start3A_595] : memref<1000001x32xf32, #tpu.memory_space<hbm>> -> memref<1x32xf32, #tpu.memory_space<hbm>>
      %dma_start3A_597 = arith.constant 0 : i32
      %dma_start3A_598 = tpu.memref_slice %arg10[%add3A_592, %dma_start3A_597] : memref<128x32xf32, #tpu.memory_space<vmem>> -> memref<1x32xf32, #tpu.memory_space<vmem>>
      %dma_start3A_599 = arith.constant 0 : i32
      %dma_start3A_600 = tpu.memref_slice %arg4[%reduce_sum3A_583, %dma_start3A_599] : memref<1000001x32xf32, #tpu.memory_space<hbm>> -> memref<1x32xf32, #tpu.memory_space<hbm>>
      tpu.enqueue_dma source(%dma_start3A_600 : memref<1x32xf32, #tpu.memory_space<hbm>>) target(%dma_start3A_598 : memref<1x32xf32, #tpu.memory_space<vmem>>) target_semaphore(%arg12 : memref<!tpu.dma_semaphore, #tpu.memory_space<semaphore_mem>>)
      %add3A_601 = arith.constant 15 : i32
      %add3A_602 = arith.addi %mul3A_21, %add3A_601 : i32
      %dma_start3A_603 = arith.constant 0 : i32
      %dma_start3A_604 = tpu.memref_slice %arg11[%add3A_602, %dma_start3A_603] : memref<128x32xf32, #tpu.memory_space<vmem>> -> memref<1x32xf32, #tpu.memory_space<vmem>>
      %dma_start3A_605 = arith.constant 0 : i32
      %dma_start3A_606 = tpu.memref_slice %arg5[%reduce_sum3A_590, %dma_start3A_605] : memref<100001x32xf32, #tpu.memory_space<hbm>> -> memref<1x32xf32, #tpu.memory_space<hbm>>
      %dma_start3A_607 = arith.constant 0 : i32
      %dma_start3A_608 = tpu.memref_slice %arg11[%add3A_602, %dma_start3A_607] : memref<128x32xf32, #tpu.memory_space<vmem>> -> memref<1x32xf32, #tpu.memory_space<vmem>>
      %dma_start3A_609 = arith.constant 0 : i32
      %dma_start3A_610 = tpu.memref_slice %arg5[%reduce_sum3A_590, %dma_start3A_609] : memref<100001x32xf32, #tpu.memory_space<hbm>> -> memref<1x32xf32, #tpu.memory_space<hbm>>
      tpu.enqueue_dma source(%dma_start3A_610 : memref<1x32xf32, #tpu.memory_space<hbm>>) target(%dma_start3A_608 : memref<1x32xf32, #tpu.memory_space<vmem>>) target_semaphore(%arg13 : memref<!tpu.dma_semaphore, #tpu.memory_space<semaphore_mem>>)
    }
    %scan3A_7 = arith.constant 8 : i32
    %dma_wait3A = arith.constant 0 : i32
    %dma_wait3A_8 = arith.constant 0 : i32
    %dma_wait3A_9 = tpu.memref_slice %arg4[%dma_wait3A, %dma_wait3A_8] : memref<1000001x32xf32, #tpu.memory_space<hbm>> -> memref<128x32xf32, #tpu.memory_space<hbm>>
    %dma_wait3A_10 = arith.constant 0 : i32
    %dma_wait3A_11 = arith.constant 0 : i32
    %dma_wait3A_12 = tpu.memref_slice %arg4[%dma_wait3A_10, %dma_wait3A_11] : memref<1000001x32xf32, #tpu.memory_space<hbm>> -> memref<128x32xf32, #tpu.memory_space<hbm>>
    tpu.wait_dma2 semaphore(%arg12 : memref<!tpu.dma_semaphore, #tpu.memory_space<semaphore_mem>>) src(%dma_wait3A_12 : memref<128x32xf32, #tpu.memory_space<hbm>>) dst(%arg10 : memref<128x32xf32, #tpu.memory_space<vmem>>)
    %dma_wait3A_13 = arith.constant 0 : i32
    %dma_wait3A_14 = arith.constant 0 : i32
    %dma_wait3A_15 = tpu.memref_slice %arg5[%dma_wait3A_13, %dma_wait3A_14] : memref<100001x32xf32, #tpu.memory_space<hbm>> -> memref<128x32xf32, #tpu.memory_space<hbm>>
    %dma_wait3A_16 = arith.constant 0 : i32
    %dma_wait3A_17 = arith.constant 0 : i32
    %dma_wait3A_18 = tpu.memref_slice %arg5[%dma_wait3A_16, %dma_wait3A_17] : memref<100001x32xf32, #tpu.memory_space<hbm>> -> memref<128x32xf32, #tpu.memory_space<hbm>>
    tpu.wait_dma2 semaphore(%arg13 : memref<!tpu.dma_semaphore, #tpu.memory_space<semaphore_mem>>) src(%dma_wait3A_18 : memref<128x32xf32, #tpu.memory_space<hbm>>) dst(%arg11 : memref<128x32xf32, #tpu.memory_space<vmem>>)
    "tpu.region"() ({
      %run_scoped3A = tpu.sem_alloc : memref<!tpu.dma_semaphore, #tpu.memory_space<semaphore_mem>>
      %dma_start3A = arith.constant 0 : i32
      %dma_start3A_19 = tpu.memref_slice %arg6[%mul3A_2, %dma_start3A] : memref<4096x32xf32, #tpu.memory_space<hbm>> -> memref<128x32xf32, #tpu.memory_space<hbm>>
      %dma_start3A_20 = arith.constant 0 : i32
      %dma_start3A_21 = tpu.memref_slice %arg6[%mul3A_2, %dma_start3A_20] : memref<4096x32xf32, #tpu.memory_space<hbm>> -> memref<128x32xf32, #tpu.memory_space<hbm>>
      tpu.enqueue_dma source(%arg10 : memref<128x32xf32, #tpu.memory_space<vmem>>) target(%dma_start3A_21 : memref<128x32xf32, #tpu.memory_space<hbm>>) target_semaphore(%run_scoped3A : memref<!tpu.dma_semaphore, #tpu.memory_space<semaphore_mem>>)
      %dma_wait3A_22 = arith.constant 0 : i32
      %dma_wait3A_23 = tpu.memref_slice %arg6[%mul3A_2, %dma_wait3A_22] : memref<4096x32xf32, #tpu.memory_space<hbm>> -> memref<128x32xf32, #tpu.memory_space<hbm>>
      %dma_wait3A_24 = arith.constant 0 : i32
      %dma_wait3A_25 = tpu.memref_slice %arg6[%mul3A_2, %dma_wait3A_24] : memref<4096x32xf32, #tpu.memory_space<hbm>> -> memref<128x32xf32, #tpu.memory_space<hbm>>
      tpu.wait_dma2 semaphore(%run_scoped3A : memref<!tpu.dma_semaphore, #tpu.memory_space<semaphore_mem>>) src(%arg10 : memref<128x32xf32, #tpu.memory_space<vmem>>) dst(%dma_wait3A_25 : memref<128x32xf32, #tpu.memory_space<hbm>>)
      tpu.yield
    }) : () -> ()
    "tpu.region"() ({
      %run_scoped3A = tpu.sem_alloc : memref<!tpu.dma_semaphore, #tpu.memory_space<semaphore_mem>>
      %dma_start3A = arith.constant 0 : i32
      %dma_start3A_19 = tpu.memref_slice %arg7[%mul3A_2, %dma_start3A] : memref<4096x32xf32, #tpu.memory_space<hbm>> -> memref<128x32xf32, #tpu.memory_space<hbm>>
      %dma_start3A_20 = arith.constant 0 : i32
      %dma_start3A_21 = tpu.memref_slice %arg7[%mul3A_2, %dma_start3A_20] : memref<4096x32xf32, #tpu.memory_space<hbm>> -> memref<128x32xf32, #tpu.memory_space<hbm>>
      tpu.enqueue_dma source(%arg11 : memref<128x32xf32, #tpu.memory_space<vmem>>) target(%dma_start3A_21 : memref<128x32xf32, #tpu.memory_space<hbm>>) target_semaphore(%run_scoped3A : memref<!tpu.dma_semaphore, #tpu.memory_space<semaphore_mem>>)
      %dma_wait3A_22 = arith.constant 0 : i32
      %dma_wait3A_23 = tpu.memref_slice %arg7[%mul3A_2, %dma_wait3A_22] : memref<4096x32xf32, #tpu.memory_space<hbm>> -> memref<128x32xf32, #tpu.memory_space<hbm>>
      %dma_wait3A_24 = arith.constant 0 : i32
      %dma_wait3A_25 = tpu.memref_slice %arg7[%mul3A_2, %dma_wait3A_24] : memref<4096x32xf32, #tpu.memory_space<hbm>> -> memref<128x32xf32, #tpu.memory_space<hbm>>
      tpu.wait_dma2 semaphore(%run_scoped3A : memref<!tpu.dma_semaphore, #tpu.memory_space<semaphore_mem>>) src(%arg11 : memref<128x32xf32, #tpu.memory_space<vmem>>) dst(%dma_wait3A_25 : memref<128x32xf32, #tpu.memory_space<hbm>>)
      tpu.yield
    }) : () -> ()
    return
  }
}

module attributes {stable_mosaic.version = 14 : i64} {
  func.func @_loss_body(%arg0: i32, %arg1: memref<512x32xf32, #tpu.memory_space<vmem>>, %arg2: memref<4096x32xf32, #tpu.memory_space<vmem>>, %arg3: memref<8x128xf32, #tpu.memory_space<vmem>>) attributes {dimension_semantics = [#tpu.dimension_semantics<parallel>], iteration_bounds = array<i64: 8>, scalar_prefetch = 0 : i64, scratch_operands = 0 : i64, tpu.core_type = #tpu.core_type<tc>, window_params = [{transform_indices = @transform_0, window_bounds = array<i64: 512, 32>}, {pipeline_mode = #tpu.pipeline_mode<synchronous>, transform_indices = @transform_1, window_bounds = array<i64: 4096, 32>}, {transform_indices = @transform_2, window_bounds = array<i64: 8, 128>}]} {
    %get3A = arith.constant 0 : index
    %get3A_0 = arith.constant 0 : index
    %get3A_1 = vector.load %arg1[%get3A, %get3A_0] : memref<512x32xf32, #tpu.memory_space<vmem>>, vector<512x32xf32>
    %get3A_2 = arith.constant 0 : index
    %get3A_3 = arith.constant 0 : index
    %get3A_4 = vector.load %arg2[%get3A_2, %get3A_3] : memref<4096x32xf32, #tpu.memory_space<vmem>>, vector<4096x32xf32>
    %dot_general3A = arith.constant dense<0.000000e+00> : vector<512x4096xf32>
    %dot_general3A_5 = tpu.matmul %get3A_1, %get3A_4, %dot_general3A {dimension_numbers = #tpu.dot_dimension_numbers<[1], [1], [0], [0], [0, 0, 1, 0], [], []>, transpose_lhs_hint = false} : vector<512x32xf32>, vector<4096x32xf32>, vector<512x4096xf32> -> vector<512x4096xf32>
    %exp3A = math.exp %dot_general3A_5 : vector<512x4096xf32>
    %reduce_sum3A = arith.constant dense<0.000000e+00> : vector<512xf32>
    %reduce_sum3A_6 = vector.multi_reduction <add>, %exp3A, %reduce_sum3A [1] : vector<512x4096xf32> to vector<512xf32>
    %broadcast_in_dim3A = vector.shape_cast %reduce_sum3A_6 : vector<512xf32> to vector<512x1xf32>
    %log3A = math.log %broadcast_in_dim3A : vector<512x1xf32>
    %mul3A = arith.constant 512 : i32
    %mul3A_7 = arith.muli %arg0, %mul3A : i32
    %get3A_8 = arith.index_cast %mul3A_7 : i32 to index
    %get3A_9 = arith.constant 0 : index
    %get3A_10 = vector.load %arg2[%get3A_8, %get3A_9] : memref<4096x32xf32, #tpu.memory_space<vmem>>, vector<512x32xf32>
    %mul3A_11 = arith.mulf %get3A_1, %get3A_10 : vector<512x32xf32>
    %reduce_sum3A_12 = arith.constant dense<0.000000e+00> : vector<512xf32>
    %reduce_sum3A_13 = vector.multi_reduction <add>, %mul3A_11, %reduce_sum3A_12 [1] : vector<512x32xf32> to vector<512xf32>
    %broadcast_in_dim3A_14 = vector.shape_cast %reduce_sum3A_13 : vector<512xf32> to vector<512x1xf32>
    %sub3A = arith.subf %log3A, %broadcast_in_dim3A_14 : vector<512x1xf32>
    %reduce_sum3A_15 = vector.shape_cast %sub3A : vector<512x1xf32> to vector<1x512x1xf32>
    %reduce_sum3A_16 = arith.constant dense<0.000000e+00> : vector<1xf32>
    %reduce_sum3A_17 = vector.multi_reduction <add>, %reduce_sum3A_15, %reduce_sum3A_16 [1, 2] : vector<1x512x1xf32> to vector<1xf32>
    %reduce_sum3A_18 = vector.shape_cast %reduce_sum3A_17 : vector<1xf32> to vector<1x1x1xf32>
    %reduce_sum3A_19 = vector.extract %reduce_sum3A_18[0, 0, 0] : f32 from vector<1x1x1xf32>
    %iota3A = tpu.iota {dimensions = array<i32: 0>} : vector<8x128xi32>
    %iota3A_20 = tpu.iota {dimensions = array<i32: 1>} : vector<8x128xi32>
    %eq3A = arith.constant 0 : i32
    %eq3A_21 = vector.broadcast %eq3A : i32 to vector<8x128xi32>
    %eq3A_22 = arith.cmpi eq, %iota3A, %eq3A_21 : vector<8x128xi32>
    %eq3A_23 = arith.constant 0 : i32
    %eq3A_24 = vector.broadcast %eq3A_23 : i32 to vector<8x128xi32>
    %eq3A_25 = arith.cmpi eq, %iota3A_20, %eq3A_24 : vector<8x128xi32>
    %and3A = arith.andi %eq3A_22, %eq3A_25 : vector<8x128xi1>
    %jit3A = arith.constant 0.000000e+00 : f32
    %broadcast_in_dim3A_26 = vector.broadcast %reduce_sum3A_19 : f32 to vector<8x128xf32>
    %broadcast_in_dim3A_27 = vector.broadcast %jit3A : f32 to vector<8x128xf32>
    %select_n3A = arith.select %and3A, %broadcast_in_dim3A_26, %broadcast_in_dim3A_27 : vector<8x128xi1>, vector<8x128xf32>
    %swap3A = arith.constant 0 : index
    %swap3A_28 = arith.constant 0 : index
    %swap3A_29 = vector.load %arg3[%swap3A, %swap3A_28] : memref<8x128xf32, #tpu.memory_space<vmem>>, vector<8x128xf32>
    tpu.vector_store %arg3[%swap3A, %swap3A_28], %select_n3A {strides = array<i32>} : memref<8x128xf32, #tpu.memory_space<vmem>>, vector<8x128xf32>,
    return
  }
  func.func @transform_0(%arg0: i32) -> (i32, i32) {
    %c0_i32 = arith.constant 0 : i32
    %c0_i32_0 = arith.constant 0 : i32
    return %arg0, %c0_i32 : i32, i32
  }
  func.func @transform_1(%arg0: i32) -> (i32, i32) {
    %c0_i32 = arith.constant 0 : i32
    %c0_i32_0 = arith.constant 0 : i32
    %c0_i32_1 = arith.constant 0 : i32
    return %c0_i32, %c0_i32_0 : i32, i32
  }
  func.func @transform_2(%arg0: i32) -> (i32, i32) {
    %c0_i32 = arith.constant 0 : i32
    %c0_i32_0 = arith.constant 0 : i32
    return %arg0, %c0_i32 : i32, i32
  }
}

</mosaic_0001>

<sc_bundles>
// kernel: kernel.4.cloned.1.call-start
scs
__scs_entry_jumppad:
0x0: {  	(pc) =	sbr.rel $0x88, $3  }
0x1: {  	(tag) =	ssettag $0x0;
	lr =	simm.s32 $0x1  }
0x2: {  	[smem:$0x3F9D] =	sst lr;
	_ =	strace $0xD0000000  }
0x3: {  	_ = 	snop  }
0x4: {  	_ = 	snop  }
0x5: {  	_ = 	snop  }
0x6: {  	_ = 	snop  }
0x7: {  	_ = 	snop  }
__scs_overlays_trampoline_lowered:
0x8: {  	[smem:$0x3FAC] =	sst s0  }
0x9: {  	[smem:$0x3FAD] =	sst s1  }
0xa: {  	[smem:$0x3FAE] =	sst s2  }
0xb: {  	[smem:$0x3FAF] =	sst s3  }
0xc: {  	[smem:$0x3FB0] =	sst s4  }
0xd: {  	[smem:$0x3FB1] =	sst s5  }
0xe: {  	[smem:$0x3FB2] =	sst s6  }
0xf: {  	[smem:$0x3FB3] =	sst s7  }
0x10: {  	[smem:$0x3FB4] =	sst s8  }
0x11: {  	[smem:$0x3FB5] =	sst s9;
	s0 =	simm.s32 @!p0 $0x0  }
0x12: {  	s1 =	sld [smem:$0x3F9B];
	s0 =	simm.s32 @p0 $0x1  }
0x13: {  	[smem:$0x3FB6] =	sst s0;
	s0 =	simm.s32 @!p1 $0x0  }
0x14: {  	s2 =	sld [smem:$0x3F9A];
	s0 =	simm.s32 @p1 $0x1  }
0x15: {  	[smem:$0x3FB7] =	sst s0;
	s0 =	simm.s32 @!p2 $0x0  }
0x16: {  	s3 =	sld [smem:$0x3FDB];
	s0 =	simm.s32 @p2 $0x1  }
0x17: {  	s4 =	simm.s32 $0x1BF5;
	[smem:$0x3FB9] =	sst s0  }
0x18: {  	s0 =	sld [smem:$0x3F9C];
	_ =	swait.ge [sflag:s4], $0x0  }
0x19: {  	s7 =	sld [smem:$0x3F9D]  }
0x1a: {  	s8 =	sadd.s32 $0xFFFFE003, lr  }
0x1b: {  	s9 =	sadd.s32 $0xFFFFFEF7, lr;
	s5 =	simm.s32 $0xFFFFFFFF;
	p2 =	slt.u32 s8, $0xFFFFF086  }
0x1c: {  	p1 =	slt.u32 s9, $0xF7A;
	s5 =	simm.s32 @!p2 $0x0  }
0x1d: {  	s5 =	simm.s32 @p1 $0x1;
	p0 =	seq.s32 s7, s2  }
0x1e: {  	s7 =	smul.u32 @!p0 $0xF7A, s2;
	p2 =	seq.s32 @!p0 s5, $0x0  }
0x1f: {  	s9 =	smul.u32 $0xF7A, s1;
	s8 =	simm.s32 @!p0 $0x1BF5;
	p2 =	por !p2, p0  }
0x20: {  	[sflag:s8] =	ssyncset.s32 @!p0 $0xFFFFF086;
	s6 =	sadd.s32 @!p0 s3, s7;
	s7 =	simm.s32 @!p0 $0x108  }
0x21: {  	s3 =	sadd.s32 s3, s9;
	s6 =	sadd.s32 @!p0 $0x88, s6;
	s7 =	simm.s32 @p2 $0x1082  }
0x22: {  	[simem:s7], [sflag:s8] =	dma.local @!p0 [hbm:s6], $0xF7A  }
0x23: {  	s9 =	sor.u32 $0xD0000000, s2;
	s6 =	simm.s32 $0x108;
	_ =	swait.ge @!p0 [sflag:s8], $0x0  }
0x24: {  	s3 =	sadd.s32 $0x88, s3;
	s6 =	simm.s32 @!p1 $0x1082;
	[sflag:s4] =	ssyncset.s32 $0xFFFFF086  }
0x25: {  	[simem:s6], [sflag:s4] =	dma.local [hbm:s3], $0xF7A  }
0x26: {  	[smem:$0x3F9D] =	sst s1;
	(tag) =	ssettag s2;
	_ =	strace s9  }
0x27: {  	s1 =	sld [smem:$0x3FAD]  }
0x28: {  	s2 =	sld [smem:$0x3FAE]  }
0x29: {  	s4 =	sld [smem:$0x3FB0]  }
0x2a: {  	p0 =	seq.s32 s5, $0x0;
	s5 =	sld [smem:$0x3FB1]  }
0x2b: {  	s6 =	sld [smem:$0x3FB2]  }
0x2c: {  	s7 =	sld [smem:$0x3FB3]  }
0x2d: {  	s3 =	simm.s32 $0x108;
	s8 =	sld [smem:$0x3FB4]  }
0x2e: {  	s3 =	simm.s32 @!p0 $0x1082;
	s9 =	sld [smem:$0x3FB5]  }
0x2f: {  	lr =	sadd.s32 s0, s3;
	s0 =	sld [smem:$0x3FAC]  }
0x30: {  	s3 =	sld [smem:$0x3FAF]  }
0x31: {  	[smem:$0x3FB8] =	sst s10  }
0x32: {  	s10 =	sld [smem:$0x3FB6];
	_ =	sdelay $0x3  }
0x33: {  	p0 =	seq.s32 s10, $0x1;
	s10 =	sld [smem:$0x3FB8];
	_ =	sdelay $0x3  }
0x34: {  	[smem:$0x3FB8] =	sst s10  }
0x35: {  	s10 =	sld [smem:$0x3FB7];
	_ =	sdelay $0x3  }
0x36: {  	p1 =	seq.s32 s10, $0x1;
	s10 =	sld [smem:$0x3FB8];
	_ =	sdelay $0x3  }
0x37: {  	[smem:$0x3FB8] =	sst s10  }
0x38: {  	s10 =	sld [smem:$0x3FB9]  }
0x39: {  	_ = 	snop;
	(pc) =	sbr.ind lr, $3  }
0x3a: {  	_ = 	snop  }
0x3b: {  	_ = 	snop  }
0x3c: {  	p2 =	seq.s32 s10, $0x1;
	s10 =	sld [smem:$0x3FB8]  }
0x3d: {  	_ =	shalt  }
0x3e: {  	_ =	shalt  }
0x3f: {  	_ =	shalt  }
0x40: {  	_ =	shalt  }
0x41: {  	_ =	shalt  }
0x42: {  	_ =	shalt  }
0x43: {  	_ =	shalt  }
0x44: {  	_ =	shalt  }
0x45: {  	_ =	shalt  }
0x46: {  	_ =	shalt  }
0x47: {  	_ =	shalt  }
0x48: {  	_ =	shalt  }
0x49: {  	_ =	shalt  }
0x4a: {  	_ =	shalt  }
0x4b: {  	_ =	shalt  }
0x4c: {  	_ =	shalt  }
0x4d: {  	_ =	shalt  }
0x4e: {  	_ =	shalt  }
0x4f: {  	_ =	shalt  }
0x50: {  	_ =	shalt  }
0x51: {  	_ =	shalt  }
0x52: {  	_ =	shalt  }
0x53: {  	_ =	shalt  }
0x54: {  	_ =	shalt  }
0x55: {  	_ =	shalt  }
0x56: {  	_ =	shalt  }
0x57: {  	_ =	shalt  }
0x58: {  	_ =	shalt  }
0x59: {  	_ =	shalt  }
0x5a: {  	_ =	shalt  }
0x5b: {  	_ =	shalt  }
0x5c: {  	_ =	shalt  }
0x5d: {  	_ =	shalt  }
0x5e: {  	_ =	shalt  }
0x5f: {  	_ =	shalt  }
0x60: {  	_ =	shalt  }
0x61: {  	_ =	shalt  }
0x62: {  	_ =	shalt  }
0x63: {  	_ =	shalt  }
0x64: {  	_ =	shalt  }
0x65: {  	_ =	shalt  }
0x66: {  	_ =	shalt  }
0x67: {  	_ =	shalt  }
0x68: {  	_ =	shalt  }
0x69: {  	_ =	shalt  }
0x6a: {  	_ =	shalt  }
0x6b: {  	_ =	shalt  }
0x6c: {  	_ =	shalt  }
0x6d: {  	_ =	shalt  }
0x6e: {  	_ =	shalt  }
0x6f: {  	_ =	shalt  }
0x70: {  	_ =	shalt  }
0x71: {  	_ =	shalt  }
0x72: {  	_ =	shalt  }
0x73: {  	_ =	shalt  }
0x74: {  	_ =	shalt  }
0x75: {  	_ =	shalt  }
0x76: {  	_ =	shalt  }
0x77: {  	_ =	shalt  }
0x78: {  	_ =	shalt  }
0x79: {  	_ =	shalt  }
0x7a: {  	_ =	shalt  }
0x7b: {  	_ =	shalt  }
0x7c: {  	_ =	shalt  }
0x7d: {  	_ =	shalt  }
0x7e: {  	_ =	shalt  }
0x7f: {  	_ =	shalt  }
0x80: {  	_ =	shalt  }
0x81: {  	_ =	shalt  }
0x82: {  	_ =	shalt  }
0x83: {  	_ =	shalt  }
0x84: {  	_ =	shalt  }
0x85: {  	_ =	shalt  }
0x86: {  	_ =	shalt  }
0x87: {  	_ =	shalt  }
.Lfunc_end0:
.L_simem_size_0:
called_computation_lowered:
.L_overlay_start_0:
0x88: {  	s2 =	sld [smem:$0x3FD9]  }
0x89: {  	s3 =	sld [smem:$0x3FFE];
	_ =	sdelay $0x1  }
0x8a: {  	s1 =	srdreg.scid  }
0x8b: {  	s0 =	sand.u32 $0x1, s1  }
0x8c: {  	s17 =	sshll.u32 s0, $0xA;
	s2 =	sadd.s32 s3, s2  }
0x8d: {  	s2 =	sadd.s32 s2, s17  }
0x8e: {  	[smem:$0x3FC4] =	sst s2  }
0x8f: {  	_ = 	snop  }
0x90: {  	s2 =	sld [smem:$0x3FC9]  }
0x91: {  	s18 =	sld [smem:$0x3FC8];
	(tm) =	ssettm $0x1  }
0x92: {  	s4 =	sld [smem:$0x3FFB];
	_ =	sdelay $0x3  }
0x93: {  	_ =	strace s4  }
0x94: {  	s4 =	sld [smem:$0x3FFC];
	_ =	sdelay $0x3  }
0x95: {  	_ =	strace s4  }
0x96: {  	s4 =	sld [smem:$0x3FFD];
	_ =	sdelay $0x3  }
0x97: {  	_ =	strace s4  }
0x98: {  	_ =	strace $0x8FFFFFFF  }
0x99: {  	s19 =	sld [smem:$0x3FDB];
	_ =	sdelay $0x1  }
0x9a: {  	s5 =	simm.s32 $_scs_section_size  }
0x9b: {  	s6 =	simm.s32 $_size__tile_overlayer_lowered;
	s7 =	simm.s32 $_tile_overlayer_lowered  }
0x9c: {  	s22 =	simm.s32 $0x1BFF;
	s21 =	sshll.u32 s7, $0x1;
	s4 =	sadd.s32 s5, s19  }
0x9d: {  	s8 =	simm.s32 $0x0;
	s20 =	sshll.u32 s6, $0x1;
	s6 =	sadd.s32 s21, s4  }
0x9e: {  	[timem:s8], [sflag:s22] =	dma.local [hbm:s6], s20  }
0x9f: {  	_ =	swait.ge [sflag:s22], s20  }
0xa0: {  	s5 =	ssub.s32 $0x0, s20;
	[sflag:s22] =	ssyncset.done $0x0  }
0xa1: {  	[sflag:s22] =	ssyncadd.s32 s5;
	_ =	sdelay $0x1  }
0xa2: {  	s23 =	simm.s32 $0x1B8B  }
0xa3: {  	_ =	swait.ge [sflag:s23], $0x1  }
0xa4: {  	[sflag:s23] =	ssyncset.done $0x0  }
0xa5: {  	s25 =	simm.s32 $0x1B8E;
	s24 =	sld [smem:$0x3FFE];
	[sflag:s23] =	ssyncadd.s32 $0xFFFFFFFF  }
0xa6: {  	s26 =	simm.s32 $execute0_lowered;
	[smem:$0x3FD2] =	sst s25  }
0xa7: {  	s6 =	sshll.u32 s26, $0x1;
	_ =	strace $0x80000046;
	[dreg:$0x1] =	wrdreg $0xFFFFFFFF  }
0xa8: {  	s28 =	simm.s32 $_size_execute0_lowered;
	s4 =	sadd.s32 s4, s6;
	[dreg:$0x0] =	wrdreg $0x0  }
0xa9: {  	s6 =	sshll.u32 s28, $0x1;
	[dreg:$0x2] =	wrdreg s4  }
0xaa: {  	[dreg:$0x3] =	wrdreg s6  }
0xab: {  	[dreg:$0x4] =	wrdreg $0xC0  }
0xac: {  	_ =	task [dreg:s8], $0x5FFFF  }
0xad: {  	[dreg:$0x1] =	wrdreg $0xFFFFFFFF  }
0xae: {  	[dreg:$0x0] =	wrdreg $0x60  }
0xaf: {  	[dreg:$0x2] =	wrdreg s2  }
0xb0: {  	[dreg:$0x3] =	wrdreg s18  }
0xb1: {  	[dreg:$0x4] =	wrdreg s24  }
0xb2: {  	[dreg:$0x5] =	wrdreg $0x9  }
0xb3: {  	_ =	task.clear_ibuf [dreg:s8], $0x6FFFF;
	_ =	strace $0x90000046  }
0xb4: {  	s29 =	simm.s32 $0x9;
	_ =	strace $0x80000048  }
0xb5: {  	_ =	swait.ge [sflag:s29], $0x1  }
0xb6: {  	[sflag:s29] =	ssyncadd.s32 $0xFFFFFFFF  }
0xb7: {  	_ =	strace $0x90000048  }
0xb8: {  	_ =	sfence  }
0xb9: {  	s30 =	sld [smem:$0x0];
	_ =	sdelay $0x2  }
0xba: {  	s31 =	sshll.u32 s1, $0xD;
	s1 =	sshrl.u32 s1, $0x2  }
0xbb: {  	s3 =	sand.u32 $0x4000, s31;
	s1 =	sadd.s32 s1, s30  }
0xbc: {  	s0 =	sor.u32 s3, s0;
	s1 =	sshll.u32 s1, $0x11  }
0xbd: {  	s0 =	sor.u32 s1, s0  }
0xbe: {  	s0 =	sadd.s32 $0x8F2B, s0  }
0xbf: {  	[sflag:s0] =	ssyncadd.remote.s32 $0x1  }
0xc0: {  	_ =	sfence.sel $0xFFFF  }
0xc1: {  	[dreg:$0x0] =	wrdreg $0xFFFFFFFF;
	(pc) =	sbr.abs _section_cstart, $3  }
0xc2: {  	[dreg:$0x1] =	wrdreg $0xFFFFFFFF  }
0xc3: {  	_ =	task.clear_ibuf [dreg:s8], $0x2FFFF;
	_ =	strace $0x9FFFFFFF  }
0xc4: {  	(tm) =	ssettm $0x7FFFFFFF  }
0xc5: {  	_ =	shalt  }
tec
execute0_lowered:
.L_overlay_start_1:
0x0: {  	(tag) =	ssettag $0x1  }
0x1: {  	s0 =	rddreg [dreg:$0x0]  }
0x2: {  	s1 =	rddreg [dreg:$0x1]  }
0x3: {  	s5 =	rddreg [dreg:$0x2];
	s3 =	srdreg.scid  }
0x4: {  	s2 =	simm.s32 $0x0;
	s4 =	stileid.u32;
	s6 =	sand.u32 $0x1, s3  }
0x5: {  	[smem:$0x7FF] =	sst s2;
	s4 =	sshll.u32 s4, $0x8;
	s7 =	sshll.u32 s6, $0x7  }
0x6: {  	s3 =	sadd.s32 $0x187400, s5;
	_ =	strace $0x80000047;
	s7 =	sor.u32 s7, s4  }
0x7: {  	s6 =	ssub.s32 $0x2, s6;
	s8 =	sshll.u32 s7, $0x4;
	s7 =	sshrl.u32 s7, $0x3  }
0x8: {  	vm0 =	vmmov $0x1;
	s4 =	sadd.s32 $0x800, s5;
	s26 =	sshrl.u32 s6, $0x1;
	s0 =	sadd.s32 s0, s7  }
0x9: {  	vm1 =	vcmask $0x308;
	vm2 =	vcmask $0x70C;
	vm3 =	vcmask $0xB10;
	s6 =	ssub.s32 s6, s26;
	s29 =	sadd.s32 s1, s7;
	[dreg:$0x13] =	wrdreg s0  }
0xa: {  	vm4 =	vcmask $0xF14;
	vm5 =	vcmask $0x1318;
	vm6 =	vcmask $0x171C;
	s5 =	sadd.s32 s8, s5;
	s31 =	smax.u32 s6, $0x1;
	[dreg:$0x15] =	wrdreg s29  }
0xb: {  	vm7 =	vcmask $0x1B20;
	vm8 =	vcmask $0x1F24;
	vm9 =	vcmask $0x2328;
	s28 =	sadd.s32 $0x10C9A00, s5;
	[dreg:$0x17] =	wrdreg s31  }
0xc: {  	vm10 =	vcmask $0x272C;
	vm11 =	vcmask $0x2B30;
	vm12 =	vcmask $0x2F34;
	s30 =	sadd.s32 $0x10D9A00, s5;
	[dreg:$0x14] =	wrdreg s28  }
0xd: {  	vm13 =	vcmask $0x3338;
	vm14 =	vcmask $0x373C;
	vm15 =	vmmov $0x7fff;
	s1 =	simm.s32 $0x0;
	s5 =	simm.s32 $0x3;
	[dreg:$0x16] =	wrdreg s30  }
.LBB2_1:
0xe: {  	[dreg:$0x18] =	wrdreg s1  }
0xf: {  	s0 =	rddreg [dreg:$0x13]  }
0x10: {  	[tilespmem:s2], [sflag:$0x3] =	stream.linear.gather [hbm4b:s0+s2], $0x80, $0x38;
	[tilespmem:$0x8100] =	vst v63  }
0x11: {  	_ =	swait.ge [sflag:s5], $0x80  }
0x12: {  	[sflag:s5] =	ssyncset.done $0x0  }
0x13: {  	s20 =	simm.s32 $0x80;
	s21 =	rddreg [dreg:$0x15];
	[sflag:s5] =	ssyncadd.s32 $0xFFFFFF80  }
0x14: {  	[tilespmem:s20], [sflag:$0x3] =	stream.linear.gather [hbm4b:s21+s2], $0x80, $0x38;
	[tilespmem:$0x8100] =	vst v63  }
0x15: {  	_ =	swait.ge [sflag:s5], $0x80  }
0x16: {  	[sflag:s5] =	ssyncset.done $0x0  }
0x17: {  	[sflag:s5] =	ssyncadd.s32 $0xFFFFFF80  }
0x18: {  	v0 =	vld [tilespmem:s20+$0x0]  }
0x19: {  	v1 =	vld [tilespmem:s2+$0x0];
	_ =	sdelay $0x3  }
0x1a: {  	v2 =	vnsel vm0, $0x0, v0  }
0x1b: {  	v3 =	vnsel vm0, $0x0, v1;
	(xrf0) =	vadd.scan.msk.s32 $0xffff, v2  }
0x1c: {  	v2 =	vsel vm1, $0x0, v1;
	(xrf0) =	vadd.scan.msk.s32 $0xffff, v3  }
0x1d: {  	v3 =	vsel vm11, $0x0, v0;
	(xrf0) =	vadd.scan.msk.s32 $0xffff, v2  }
0x1e: {  	v2 =	vsel vm2, $0x0, v0;
	(xrf0) =	vadd.scan.msk.s32 $0xffff, v3;
	v3 =	vsel vm3, $0x0, v0  }
0x1f: {  	(xrf0) =	vadd.scan.msk.s32 $0xffff, v2;
	v2 =	vsel vm2, $0x0, v1  }
0x20: {  	(xrf0) =	vadd.scan.msk.s32 $0xffff, v3  }
0x21: {  	v4 =	vsel vm5, $0x0, v0;
	v3, _, _ =	vpop (xrf0);
	(xrf0) =	vadd.scan.msk.s32 $0xffff, v2  }
0x22: {  	v2, _, _ =	vpop (xrf0);
	(v2sf) =	vpush v3, $0xF;
	v3 =	vsel vm1, $0x0, v0;
	(xrf0) =	vadd.scan.msk.s32 $0xffff, v4;
	v4 =	vsel vm12, $0x0, v0  }
0x23: {  	(v2sf) =	vpush v2, $0xF;
	v2, _, _ =	vpop (xrf0);
	(xrf0) =	vadd.scan.msk.s32 $0xffff, v3;
	v3 =	vsel vm6, $0x0, v0  }
0x24: {  	(v2sf) =	vpush v2, $0xF;
	v2, _, _ =	vpop (xrf0)  }
0x25: {  	(xrf0) =	vadd.scan.msk.s32 $0xffff, v4;
	v4, _, _ =	vpop (xrf0);
	(v2sf) =	vpush v2, $0xF;
	v2 =	vsel vm13, $0x0, v0  }
0x26: {  	(xrf0) =	vadd.scan.msk.s32 $0xffff, v3;
	(v2sf) =	vpush v4, $0xF;
	v3, _, _ =	vpop (xrf0);
	v4 =	vsel vm3, $0x0, v1  }
0x27: {  	(v2sf) =	vpush v3, $0xF;
	v3 =	vsel vm4, $0x0, v1  }
0x28: {  	(xrf0) =	vadd.scan.msk.s32 $0xffff, v2;
	v2, _, _ =	vpop (xrf0)  }
0x29: {  	(xrf0) =	vadd.scan.msk.s32 $0xffff, v4;
	v4, _, _ =	vpop (xrf0);
	(v2sf) =	vpush v2, $0xF  }
0x2a: {  	v2 =	vsel vm7, $0x0, v0;
	(xrf0) =	vadd.scan.msk.s32 $0xffff, v3;
	v3, _, _ =	vpop (xrf0)  }
0x2b: {  	s17 =	simm.s32 $0x2000;
	s16 =	simm.s32 $0x0;
	(v2sf) =	vpush v3, $0xF  }
0x2c: {  	s7 =	simm.s32 $0x4200;
	s26 =	simm.s32 $0x400;
	s24 =	simm.s32 $0x600;
	v5 =	vsel vm8, $0x0, v0  }
0x2d: {  	s6 =	simm.s32 $0x280;
	s1 =	simm.s32 $0x4280;
	s10 =	simm.s32 $0x100;
	(xrf0) =	vadd.scan.msk.s32 $0xffff, v2;
	v2, _, _ =	vpop (xrf0)  }
0x2e: {  	s12 =	simm.s32 $0x180;
	s11 =	simm.s32 $0x4100;
	s13 =	simm.s32 $0x200;
	v3 =	vsel vm5, $0x0, v1;
	(xrf0) =	vadd.scan.msk.s32 $0xffff, v5;
	(v2sf) =	vpush v4, $0xF;
	v4, _, _ =	vpop (xrf0)  }
0x2f: {  	s25 =	simm.s32 $0x4580;
	s14 =	simm.s32 $0x4180;
	s28 =	simm.s32 $0x580;
	(xrf0) =	vadd.scan.msk.s32 $0xffff, v3;
	v3 =	vsel vm9, $0x0, v0;
	v5, _, _ =	vpop (xrf0);
	(v2sf) =	vpush v4, $0xF  }
0x30: {  	s29 =	simm.s32 $0x500;
	s9 =	simm.s32 $0x480;
	s22 =	simm.s32 $0x4400;
	(xrf0) =	vadd.scan.msk.s32 $0xffff, v3;
	v3 =	vsel vm7, $0x0, v1;
	v4, _, _ =	vpop (xrf0)  }
0x31: {  	s30 =	simm.s32 $0x800;
	s31 =	simm.s32 $0x4700;
	v6 =	vsel vm6, $0x0, v1;
	(v2sf) =	vpush v4, $0xF;
	s15 =	spop (v2sf)  }
0x32: {  	s0 =	simm.s32 $0x300;
	[dreg:$0x6] =	wrdreg s9;
	(xrf0) =	vadd.scan.msk.s32 $0xffff, v6;
	v6 =	vsel vm4, $0x0, v0;
	v4, _, _ =	vpop (xrf0);
	s8 =	spop (v2sf)  }
0x33: {  	[dreg:$0x7] =	wrdreg s22;
	s9 =	simm.s32 $0x4300;
	(xrf0) =	vadd.scan.msk.s32 $0xffff, v3;
	(v2sf) =	vpush v4, $0xF;
	v3, _, _ =	vpop (xrf0);
	s18 =	spop (v2sf)  }
0x34: {  	(xrf0) =	vadd.scan.msk.s32 $0xffff, v6;
	v4, _, _ =	vpop (xrf0);
	(v2sf) =	vpush v3, $0xF;
	s15 =	sshll.u32 s15, $0x4;
	s19 =	sshll.u32 s8, $0x4;
	s8 =	spop (v2sf)  }
0x35: {  	v6, _, _ =	vpop (xrf0);
	s15 =	sand.u32 $0x1FFFFFF0, s15;
	s19 =	sand.u32 $0x1FFFFFF0, s19;
	s20 =	spop (v2sf)  }
0x36: {  	(v2sf) =	vpush v6, $0xF;
	s23 =	sshll.u32 s18, $0x4;
	s19 =	sadd.s32 s3, s19;
	s21 =	spop (v2sf)  }
0x37: {  	v3, _, _ =	vpop (xrf0);
	(v2sf) =	vpush v4, $0xF;
	[tilespmem:s10], [sflag:$0x1] =	stream.linear.gather [hbm4b:s19+s2], $0x80, $0x38;
	[tilespmem:$0x8100] =	vst v63  }
0x38: {  	s15 =	sadd.s32 s4, s15;
	v6, _, _ =	vpop (xrf0);
	s10 =	sand.u32 $0x1FFFFFF0, s23;
	s18 =	spop (v2sf)  }
0x39: {  	v4, _, _ =	vpop (xrf0);
	(v2sf) =	vpush v3, $0xF;
	[tilespmem:s11], [sflag:$0x2] =	stream.linear.gather [hbm4b:s15+s2], $0x80, $0x38;
	[tilespmem:$0x8100] =	vst v63  }
0x3a: {  	s5 =	simm.s32 $0x380;
	v3, _, _ =	vpop (xrf0);
	s10 =	sadd.s32 s3, s10;
	s22 =	spop (v2sf)  }
0x3b: {  	(v2sf) =	vpush v3, $0xF;
	[tilespmem:s12], [sflag:$0x1] =	stream.linear.gather [hbm4b:s10+s2], $0x80, $0x38;
	[tilespmem:$0x8100] =	vst v63  }
0x3c: {  	s19 =	simm.s32 $0x10;
	s23 =	sshll.u32 s22, $0x4;
	s22 =	sshll.u32 s18, $0x4  }
0x3d: {  	s11 =	spop (v2sf);
	s15 =	sand.u32 $0x1FFFFFF0, s23;
	s12 =	sand.u32 $0x1FFFFFF0, s22  }
0x3e: {  	s23 =	sshll.u32 s20, $0x4;
	s10 =	spop (v2sf);
	s15 =	sadd.s32 s4, s15  }
0x3f: {  	[tilespmem:s14], [sflag:$0x2] =	stream.linear.gather [hbm4b:s15+s2], $0x80, $0x38;
	[tilespmem:$0x8100] =	vst v63  }
0x40: {  	s20 =	simm.s32 $0x90;
	s12 =	sadd.s32 s3, s12;
	s18 =	spop (v2sf)  }
0x41: {  	v3 =	vsel vm8, $0x0, v1;
	[tilespmem:s13], [sflag:$0x1] =	stream.linear.gather [hbm4b:s12+s2], $0x80, $0x38;
	[tilespmem:$0x8100] =	vst v63  }
0x42: {  	v7 =	vsel vm9, $0x0, v1;
	(xrf0) =	vadd.scan.msk.s32 $0xffff, v3;
	s22 =	sand.u32 $0x1FFFFFF0, s23;
	s15 =	spop (v2sf);
	s23 =	sshll.u32 s18, $0x4  }
0x43: {  	(xrf0) =	vadd.scan.msk.s32 $0xffff, v7;
	s12 =	sadd.s32 s4, s22;
	s22 =	sshll.u32 s21, $0x4;
	s13 =	spop (v2sf)  }
0x44: {  	[tilespmem:s7], [sflag:$0x2] =	stream.linear.gather [hbm4b:s12+s2], $0x80, $0x38;
	[tilespmem:$0x8100] =	vst v63  }
0x45: {  	s23 =	sand.u32 $0x1FFFFFF0, s23;
	s15 =	sshll.u32 s15, $0x4;
	s18 =	spop (v2sf)  }
0x46: {  	(v2sf) =	vpush v6, $0xF;
	s7 =	sand.u32 $0x1FFFFFF0, s22;
	s12 =	sadd.s32 s3, s23;
	s14 =	spop (v2sf)  }
0x47: {  	(v2sf) =	vpush v4, $0xF;
	[tilespmem:s6], [sflag:$0x1] =	stream.linear.gather [hbm4b:s12+s2], $0x80, $0x38;
	v4 =	vsel vm10, $0x0, v1;
	[tilespmem:$0x8100] =	vst v63  }
0x48: {  	v3, _, _ =	vpop (xrf0);
	s23 =	simm.s32 $0x780;
	s7 =	sadd.s32 s4, s7;
	s21 =	spop (v2sf);
	(xrf0) =	vadd.scan.msk.s32 $0xffff, v4  }
0x49: {  	(v2sf) =	vpush v3, $0xF;
	v3 =	vsel vm10, $0x0, v0;
	[tilespmem:s1], [sflag:$0x2] =	stream.linear.gather [hbm4b:s7+s2], $0x80, $0x38;
	[tilespmem:$0x8100] =	vst v63  }
0x4a: {  	v6, _, _ =	vpop (xrf0);
	[dreg:$0x5] =	wrdreg s23;
	s6 =	sand.u32 $0x1FFFFFF0, s15;
	(xrf0) =	vadd.scan.msk.s32 $0xffff, v3;
	v3 =	vsel vm11, $0x0, v1;
	s22 =	spop (v2sf)  }
0x4b: {  	s15 =	simm.s32 $0x4780;
	s1 =	sadd.s32 s3, s6;
	(v2sf) =	vpush v6, $0xF;
	(xrf0) =	vadd.scan.msk.s32 $0xffff, v3;
	s12 =	sshll.u32 s22, $0x4  }
0x4c: {  	v3 =	vsel vm12, $0x0, v1;
	[tilespmem:s0], [sflag:$0x1] =	stream.linear.gather [hbm4b:s1+s2], $0x80, $0x38;
	[tilespmem:$0x8100] =	vst v63  }
0x4d: {  	s23 =	sshll.u32 s8, $0x4;
	[dreg:$0x4] =	wrdreg s15;
	v4 =	vsel vm13, $0x0, v1;
	(xrf0) =	vadd.scan.msk.s32 $0xffff, v3;
	s6 =	sand.u32 $0x1FFFFFF0, s12  }
0x4e: {  	s8 =	sshll.u32 s14, $0x4;
	(xrf0) =	vadd.scan.msk.s32 $0xffff, v4;
	s12 =	sshll.u32 s18, $0x4;
	s22 =	sadd.s32 s4, s6  }
0x4f: {  	v3 =	vsel vm14, $0x0, v1;
	[tilespmem:s9], [sflag:$0x2] =	stream.linear.gather [hbm4b:s22+s2], $0x80, $0x38;
	[tilespmem:$0x8100] =	vst v63  }
0x50: {  	v4 =	vsel vm14, $0x0, v0;
	(xrf0) =	vadd.scan.msk.s32 $0xffff, v3;
	s15 =	sand.u32 $0x1FFFFFF0, s12;
	s9 =	sshll.u32 s11, $0x4;
	s11 =	sshll.u32 s10, $0x4  }
0x51: {  	(xrf0) =	vadd.scan.msk.s32 $0xffff, v4;
	s22 =	sadd.s32 s3, s15;
	s10 =	sand.u32 $0x1FFFFFF0, s9;
	s7 =	sand.u32 $0x1FFFFFF0, s11  }
0x52: {  	v1 =	vsel vm15, $0x0, v1;
	[tilespmem:s5], [sflag:$0x1] =	stream.linear.gather [hbm4b:s22+s2], $0x80, $0x38;
	[tilespmem:$0x8100] =	vst v63  }
0x53: {  	v3, _, _ =	vpop (xrf0);
	s11 =	sand.u32 $0x1FFFFFF0, s23;
	(xrf0) =	vadd.scan.msk.s32 $0xffff, v1;
	s23 =	simm.s32 $0x4380;
	s15 =	sadd.s32 s4, s10  }
0x54: {  	v0 =	vsel vm15, $0x0, v0;
	v4, _, _ =	vpop (xrf0);
	[tilespmem:s23], [sflag:$0x2] =	stream.linear.gather [hbm4b:s15+s2], $0x80, $0x38;
	[tilespmem:$0x8100] =	vst v63  }
0x55: {  	s1 =	simm.s32 $0x4680;
	s0 =	simm.s32 $0x700;
	v1, _, _ =	vpop (xrf0);
	(xrf0) =	vadd.scan.msk.s32 $0xffff, v0;
	s9 =	spop (v2sf)  }
0x56: {  	s18 =	sshll.u32 s13, $0x4;
	s6 =	sand.u32 $0x1FFFFFF0, s8;
	(v2sf) =	vpush v3, $0xF;
	v7, _, _ =	vpop (xrf0);
	s8 =	sshll.u32 s9, $0x4  }
0x57: {  	s12 =	sshll.u32 s21, $0x4;
	v6, _, _ =	vpop (xrf0);
	s15 =	simm.s32 $0x4500;
	(v2sf) =	vpush v4, $0xF;
	s13 =	sand.u32 $0x1FFFFFF0, s8  }
0x58: {  	v4, _, _ =	vpop (xrf0);
	(v2sf) =	vpush v2, $0xF;
	s8 =	sand.u32 $0x1FFFFFF0, s12;
	s14 =	spop (v2sf);
	s10 =	sadd.s32 s3, s13  }
0x59: {  	v3, _, _ =	vpop (xrf0);
	s13 =	simm.s32 $0x680;
	s21 =	spop (v2sf);
	s22 =	sshll.u32 s14, $0x4;
	(v2sf) =	vpush v1, $0xF  }
0x5a: {  	v1, _, _ =	vpop (xrf0);
	s5 =	sshll.u32 s21, $0x4;
	s12 =	sand.u32 $0x1FFFFFF0, s22;
	(v2sf) =	vpush v5, $0xF;
	s23 =	spop (v2sf)  }
0x5b: {  	v0, _, _ =	vpop (xrf0);
	s14 =	sand.u32 $0x1FFFFFF0, s5;
	(v2sf) =	vpush v7, $0xF;
	s5 =	simm.s32 $0x4600;
	s9 =	sshll.u32 s23, $0x4  }
.LBB2_2:
0x5c: {  	[tilespmem:s26], [sflag:$0x1] =	stream.linear.gather [hbm4b:s10+s2], $0x80, $0x38;
	[tilespmem:$0x8100] =	vst v63  }
0x5d: {  	s7 =	sadd.s32 s4, s7;
	s26 =	rddreg [dreg:$0x7]  }
0x5e: {  	[tilespmem:s26], [sflag:$0x2] =	stream.linear.gather [hbm4b:s7+s2], $0x80, $0x38;
	[tilespmem:$0x8100] =	vst v63  }
0x5f: {  	s7 =	sadd.s32 s3, s12;
	s12 =	sand.u32 $0x1FFFFFF0, s18;
	s26 =	rddreg [dreg:$0x6]  }
0x60: {  	[tilespmem:s26], [sflag:$0x1] =	stream.linear.gather [hbm4b:s7+s2], $0x80, $0x38;
	[tilespmem:$0x8100] =	vst v63  }
0x61: {  	s21 =	sadd.s32 $0x4480, s16;
	s18 =	sadd.s32 s4, s12  }
0x62: {  	[tilespmem:s21], [sflag:$0x2] =	stream.linear.gather [hbm4b:s18+s2], $0x80, $0x38;
	[tilespmem:$0x8100] =	vst v63  }
0x63: {  	s21 =	sadd.s32 s3, s14  }
0x64: {  	[tilespmem:s29], [sflag:$0x1] =	stream.linear.gather [hbm4b:s21+s2], $0x80, $0x38;
	[tilespmem:$0x8100] =	vst v63  }
0x65: {  	s23 =	spop (v2sf)  }
0x66: {  	s6 =	sadd.s32 s4, s6;
	s10 =	sshll.u32 s23, $0x4;
	s23 =	spop (v2sf)  }
0x67: {  	(v2sf) =	vpush v6, $0xF;
	[tilespmem:s15], [sflag:$0x2] =	stream.linear.gather [hbm4b:s6+s2], $0x80, $0x38;
	[tilespmem:$0x8100] =	vst v63  }
0x68: {  	s22 =	sand.u32 $0x1FFFFFF0, s9;
	s8 =	sadd.s32 s4, s8;
	s26 =	spop (v2sf);
	(v2sf) =	vpush v4, $0xF  }
0x69: {  	s10 =	sand.u32 $0x1FFFFFF0, s10;
	s12 =	sshll.u32 s23, $0x4;
	s23 =	sshll.u32 s26, $0x4  }
0x6a: {  	s26 =	spop (v2sf);
	(v2sf) =	vpush v3, $0xF;
	s14 =	sand.u32 $0x1FFFFFF0, s23;
	s23 =	sadd.s32 s3, s22  }
0x6b: {  	[tilespmem:s28], [sflag:$0x1] =	stream.linear.gather [hbm4b:s23+s2], $0x80, $0x38;
	[tilespmem:$0x8100] =	vst v63  }
0x6c: {  	s21 =	sshll.u32 s26, $0x4;
	s26 =	spop (v2sf);
	s22 =	sadd.s32 s3, s10  }
0x6d: {  	[tilespmem:s25], [sflag:$0x2] =	stream.linear.gather [hbm4b:s8+s2], $0x80, $0x38;
	[tilespmem:$0x8100] =	vst v63  }
0x6e: {  	(v2sf) =	vpush v1, $0xF;
	s7 =	sand.u32 $0x1FFFFFF0, s21;
	s21 =	spop (v2sf);
	s23 =	sand.u32 $0x1FFFFFF0, s12  }
0x6f: {  	[tilespmem:s24], [sflag:$0x1] =	stream.linear.gather [hbm4b:s22+s2], $0x80, $0x38;
	[tilespmem:$0x8100] =	vst v63  }
0x70: {  	s18 =	sshll.u32 s26, $0x4;
	(v2sf) =	vpush v0, $0xF;
	s25 =	sshll.u32 s21, $0x4;
	s24 =	sadd.s32 s4, s23  }
0x71: {  	[tilespmem:s5], [sflag:$0x2] =	stream.linear.gather [hbm4b:s24+s2], $0x80, $0x38;
	[tilespmem:$0x8100] =	vst v63  }
0x72: {  	s15 =	sadd.s32 s3, s7;
	s8 =	sand.u32 $0x1FFFFFF0, s18;
	s18 =	sand.u32 $0x1FFFFFF0, s25  }
0x73: {  	[tilespmem:s13], [sflag:$0x1] =	stream.linear.gather [hbm4b:s15+s2], $0x80, $0x38;
	[tilespmem:$0x8100] =	vst v63  }
0x74: {  	s10 =	sadd.s32 s4, s14;
	s22 =	sadd.s32 s4, s11;
	s24 =	sadd.s32 s3, s18  }
0x75: {  	[tilespmem:s1], [sflag:$0x2] =	stream.linear.gather [hbm4b:s22+s2], $0x80, $0x38;
	[tilespmem:$0x8100] =	vst v63  }
0x76: {  	s18 =	sadd.s32 s4, s8;
	s15 =	rddreg [dreg:$0x5];
	s26 =	spop (v2sf)  }
0x77: {  	s22 =	rddreg [dreg:$0x4];
	s21 =	sshll.u32 s26, $0x4;
	s23 =	spop (v2sf)  }
0x78: {  	[tilespmem:s0], [sflag:$0x1] =	stream.linear.gather [hbm4b:s24+s2], $0x80, $0x38;
	[tilespmem:$0x8100] =	vst v63  }
0x79: {  	s7 =	sand.u32 $0x1FFFFFF0, s21;
	s25 =	sshll.u32 s23, $0x4;
	s26 =	spop (v2sf)  }
0x7a: {  	[tilespmem:s31], [sflag:$0x2] =	stream.linear.gather [hbm4b:s10+s2], $0x80, $0x38;
	[tilespmem:$0x8100] =	vst v63  }
0x7b: {  	s11 =	sand.u32 $0x1FFFFFF0, s25;
	s12 =	sshll.u32 s26, $0x4;
	s13 =	sadd.s32 s3, s7  }
0x7c: {  	[tilespmem:s15], [sflag:$0x1] =	stream.linear.gather [hbm4b:s13+s2], $0x80, $0x38;
	[tilespmem:$0x8100] =	vst v63  }
0x7d: {  	s14 =	spop (v2sf);
	s26 =	sadd.s32 $0x4800, s16;
	s5 =	sand.u32 $0x1FFFFFF0, s12  }
0x7e: {  	[tilespmem:s22], [sflag:$0x2] =	stream.linear.gather [hbm4b:s18+s2], $0x80, $0x38;
	[tilespmem:$0x8100] =	vst v63  }
0x7f: {  	s6 =	sshll.u32 s14, $0x4;
	s21 =	spop (v2sf);
	s23 =	sadd.s32 s3, s11  }
0x80: {  	[tilespmem:s30], [sflag:$0x1] =	stream.linear.gather [hbm4b:s23+s2], $0x80, $0x38;
	[tilespmem:$0x8100] =	vst v63  }
0x81: {  	s24 =	sand.u32 $0x1FFFFFF0, s6;
	s25 =	sshll.u32 s21, $0x4;
	s5 =	sadd.s32 s4, s5  }
0x82: {  	[tilespmem:s26], [sflag:$0x2] =	stream.linear.gather [hbm4b:s5+s2], $0x80, $0x38;
	[tilespmem:$0x8100] =	vst v63  }
0x83: {  	s7 =	sadd.s32 $0x880, s16;
	s6 =	sand.u32 $0x1FFFFFF0, s25;
	s1 =	sadd.s32 s3, s24  }
0x84: {  	[tilespmem:s7], [sflag:$0x1] =	stream.linear.gather [hbm4b:s1+s2], $0x80, $0x38;
	[tilespmem:$0x8100] =	vst v63  }
0x85: {  	s8 =	sadd.s32 $0x4880, s16;
	s10 =	sadd.s32 s4, s6  }
0x86: {  	[tilespmem:s8], [sflag:$0x2] =	stream.linear.gather [hbm4b:s10+s2], $0x80, $0x38;
	[tilespmem:$0x8100] =	vst v63  }
0x87: {  	v2 =	vld [tilespmem:s20+$0x0]  }
0x88: {  	v1 =	vld [tilespmem:s19+$0x0];
	_ =	sdelay $0x3  }
0x89: {  	v3 =	vnsel vm0, $0x0, v2  }
0x8a: {  	v6 =	vnsel vm0, $0x0, v1;
	(xrf0) =	vadd.scan.msk.s32 $0xffff, v3  }
0x8b: {  	v7 =	vsel vm1, $0x0, v1;
	(xrf0) =	vadd.scan.msk.s32 $0xffff, v6  }
0x8c: {  	v11 =	vsel vm11, $0x0, v2;
	(xrf0) =	vadd.scan.msk.s32 $0xffff, v7  }
0x8d: {  	v5 =	vsel vm2, $0x0, v2;
	(xrf0) =	vadd.scan.msk.s32 $0xffff, v11  }
0x8e: {  	s9 =	smov.u32 s17;
	v51 =	vsel vm3, $0x0, v2;
	(xrf0) =	vadd.scan.msk.s32 $0xffff, v5  }
0x8f: {  	s16 =	sshra.s32 s9, $0x2;
	(xrf0) =	vadd.scan.msk.s32 $0xffff, v51  }
0x90: {  	s11 =	sadd.s32 $0x4200, s16;
	v3 =	vsel vm2, $0x0, v1;
	v19, _, _ =	vpop (xrf0)  }
0x91: {  	s12 =	sadd.s32 $0x400, s16;
	[dreg:$0xd] =	wrdreg s11;
	v5 =	vsel vm5, $0x0, v2;
	(xrf0) =	vadd.scan.msk.s32 $0xffff, v3;
	v21, _, _ =	vpop (xrf0);
	(v2sf) =	vpush v19, $0xF  }
0x92: {  	s14 =	sadd.s32 $0x280, s16;
	[dreg:$0x9] =	wrdreg s12;
	v20 =	vsel vm1, $0x0, v2;
	(xrf0) =	vadd.scan.msk.s32 $0xffff, v5;
	(v2sf) =	vpush v21, $0xF;
	v53, _, _ =	vpop (xrf0)  }
0x93: {  	p0 =	sne.s32 s17, $0xE000;
	s13 =	sadd.s32 $0x600, s16;
	[dreg:$0xc] =	wrdreg s14;
	v5 =	vsel vm12, $0x0, v2;
	(xrf0) =	vadd.scan.msk.s32 $0xffff, v20;
	(v2sf) =	vpush v53, $0xF;
	v55, _, _ =	vpop (xrf0)  }
0x94: {  	s17 =	sadd.s32 $0x2000, s17;
	s15 =	sadd.s32 $0x4280, s16;
	[dreg:$0x8] =	wrdreg s13;
	v54 =	vsel vm6, $0x0, v2;
	(xrf0) =	vadd.scan.msk.s32 $0xffff, v5;
	v56, _, _ =	vpop (xrf0);
	(v2sf) =	vpush v55, $0xF  }
0x95: {  	s9 =	sadd.s32 $0x4180, s16;
	s21 =	sadd.s32 $0x200, s16;
	[dreg:$0xb] =	wrdreg s15;
	v22 =	vsel vm13, $0x0, v2;
	v6 =	vsel vm4, $0x0, v1;
	(xrf0) =	vadd.scan.msk.s32 $0xffff, v54;
	(v2sf) =	vpush v56, $0xF;
	v57, _, _ =	vpop (xrf0)  }
0x96: {  	s0 =	sadd.s32 $0x700, s16;
	[dreg:$0xf] =	wrdreg s21;
	s24 =	sadd.s32 $0x580, s16;
	v8 =	vsel vm3, $0x0, v1;
	(xrf0) =	vadd.scan.msk.s32 $0xffff, v22;
	(v2sf) =	vpush v57, $0xF  }
0x97: {  	s31 =	sadd.s32 $0x4700, s16;
	s25 =	sadd.s32 $0x480, s16;
	[dreg:$0x10] =	wrdreg s24;
	v5, _, _ =	vpop (xrf0);
	(xrf0) =	vadd.scan.msk.s32 $0xffff, v8  }
0x98: {  	s11 =	sadd.s32 $0x100, s16;
	s18 =	sadd.s32 $0x300, s16;
	[dreg:$0x6] =	wrdreg s25;
	(xrf0) =	vadd.scan.msk.s32 $0xffff, v6;
	v6, _, _ =	vpop (xrf0);
	(v2sf) =	vpush v5, $0xF  }
0x99: {  	s21 =	sadd.s32 $0x4300, s16;
	s22 =	sadd.s32 $0x4580, s16;
	[dreg:$0xa] =	wrdreg s18;
	v59, _, _ =	vpop (xrf0)  }
0x9a: {  	s13 =	sadd.s32 $0x680, s16;
	[dreg:$0x11] =	wrdreg s22;
	s23 =	sadd.s32 $0x380, s16;
	(v2sf) =	vpush v59, $0xF  }
0x9b: {  	s15 =	sadd.s32 $0x4500, s16;
	[dreg:$0xe] =	wrdreg s23;
	s26 =	sadd.s32 $0x4400, s16;
	v8 =	vsel vm7, $0x0, v2  }
0x9c: {  	s6 =	sadd.s32 $0x500, s16;
	s5 =	sadd.s32 $0x4780, s16;
	[dreg:$0x7] =	wrdreg s26;
	v0 =	vsel vm14, $0x0, v2;
	v4 =	vsel vm10, $0x0, v2;
	v58 =	vsel vm8, $0x0, v2;
	(xrf0) =	vadd.scan.msk.s32 $0xffff, v8;
	v5, _, _ =	vpop (xrf0)  }
0x9d: {  	s18 =	sadd.s32 $0x4100, s16;
	[dreg:$0x4] =	wrdreg s5;
	s1 =	sadd.s32 $0x780, s16;
	v9 =	vsel vm4, $0x0, v2;
	v10 =	vsel vm5, $0x0, v1;
	(xrf0) =	vadd.scan.msk.s32 $0xffff, v58;
	(v2sf) =	vpush v6, $0xF;
	v6, _, _ =	vpop (xrf0)  }
0x9e: {  	s30 =	sadd.s32 $0x4380, s16;
	s7 =	sadd.s32 $0x800, s16;
	[dreg:$0x5] =	wrdreg s1;
	v3 =	vsel vm15, $0x0, v2;
	v8 =	vsel vm9, $0x0, v2;
	(xrf0) =	vadd.scan.msk.s32 $0xffff, v10;
	(v2sf) =	vpush v6, $0xF;
	v2, _, _ =	vpop (xrf0)  }
0x9f: {  	s5 =	sadd.s32 $0x4600, s16;
	[dreg:$0x12] =	wrdreg s7;
	s1 =	sadd.s32 $0x4680, s16;
	v7 =	vsel vm6, $0x0, v1;
	(xrf0) =	vadd.scan.msk.s32 $0xffff, v8;
	v6, _, _ =	vpop (xrf0)  }
0xa0: {  	s8 =	sadd.s32 $0x180, s16;
	s19 =	sadd.s32 $0x10, s19;
	v12 =	vsel vm7, $0x0, v1;
	(xrf0) =	vadd.scan.msk.s32 $0xffff, v7;
	(v2sf) =	vpush v6, $0xF;
	s10 =	spop (v2sf)  }
0xa1: {  	s20 =	sadd.s32 $0x10, s20;
	v6, _, _ =	vpop (xrf0);
	(xrf0) =	vadd.scan.msk.s32 $0xffff, v12;
	s7 =	sshll.u32 s10, $0x4;
	s12 =	spop (v2sf)  }
0xa2: {  	v13 =	vsel vm8, $0x0, v1;
	(v2sf) =	vpush v6, $0xF;
	(xrf0) =	vadd.scan.msk.s32 $0xffff, v9;
	v6, _, _ =	vpop (xrf0);
	s14 =	sshll.u32 s12, $0x4;
	s10 =	sand.u32 $0x1FFFFFF0, s7;
	s22 =	spop (v2sf)  }
0xa3: {  	v14 =	vsel vm9, $0x0, v1;
	(xrf0) =	vadd.scan.msk.s32 $0xffff, v13;
	v7, _, _ =	vpop (xrf0);
	s23 =	sand.u32 $0x1FFFFFF0, s14;
	s7 =	sshll.u32 s22, $0x4;
	s24 =	spop (v2sf)  }
0xa4: {  	v15 =	vsel vm10, $0x0, v1;
	v8, _, _ =	vpop (xrf0);
	(v2sf) =	vpush v6, $0xF;
	(xrf0) =	vadd.scan.msk.s32 $0xffff, v14;
	s10 =	sadd.s32 s4, s10;
	s12 =	sand.u32 $0x1FFFFFF0, s7;
	s25 =	spop (v2sf)  }
0xa5: {  	(v2sf) =	vpush v8, $0xF;
	v6, _, _ =	vpop (xrf0);
	(xrf0) =	vadd.scan.msk.s32 $0xffff, v15;
	s24 =	sshll.u32 s24, $0x4;
	s14 =	sadd.s32 s3, s23;
	s26 =	spop (v2sf)  }
0xa6: {  	(v2sf) =	vpush v7, $0xF;
	[tilespmem:s11], [sflag:$0x1] =	stream.linear.gather [hbm4b:s14+s2], $0x80, $0x38;
	[tilespmem:$0x8100] =	vst v63  }
0xa7: {  	v8, _, _ =	vpop (xrf0);
	(xrf0) =	vadd.scan.msk.s32 $0xffff, v4;
	(v2sf) =	vpush v6, $0xF;
	s7 =	sshll.u32 s25, $0x4;
	s12 =	sadd.s32 s3, s12;
	s22 =	spop (v2sf)  }
0xa8: {  	v4, _, _ =	vpop (xrf0);
	[tilespmem:s18], [sflag:$0x2] =	stream.linear.gather [hbm4b:s10+s2], $0x80, $0x38;
	[tilespmem:$0x8100] =	vst v63  }
0xa9: {  	v7, _, _ =	vpop (xrf0);
	s23 =	sand.u32 $0x1FFFFFF0, s7;
	s14 =	sshll.u32 s26, $0x4;
	s25 =	spop (v2sf)  }
0xaa: {  	(v2sf) =	vpush v7, $0xF;
	s11 =	sshll.u32 s22, $0x4;
	s22 =	sand.u32 $0x1FFFFFF0, s14;
	s7 =	sshll.u32 s25, $0x4  }
0xab: {  	[tilespmem:s8], [sflag:$0x1] =	stream.linear.gather [hbm4b:s12+s2], $0x80, $0x38;
	[tilespmem:$0x8100] =	vst v63  }
0xac: {  	(v2sf) =	vpush v8, $0xF;
	s25 =	sand.u32 $0x1FFFFFF0, s11;
	s26 =	spop (v2sf);
	s7 =	sand.u32 $0x1FFFFFF0, s7  }
0xad: {  	s11 =	sshll.u32 s26, $0x4;
	s26 =	spop (v2sf);
	s25 =	sadd.s32 s3, s25  }
0xae: {  	s28 =	sadd.s32 s4, s7;
	s14 =	sand.u32 $0x1FFFFFF0, s11;
	s11 =	sshll.u32 s26, $0x4  }
0xaf: {  	s7 =	sand.u32 $0x1FFFFFF0, s11;
	s11 =	sand.u32 $0x1FFFFFF0, s24;
	s26 =	spop (v2sf)  }
0xb0: {  	[tilespmem:s9], [sflag:$0x2] =	stream.linear.gather [hbm4b:s28+s2], $0x80, $0x38;
	[tilespmem:$0x8100] =	vst v63  }
0xb1: {  	s9 =	rddreg [dreg:$0xf];
	s24 =	sshll.u32 s26, $0x4;
	s26 =	spop (v2sf)  }
0xb2: {  	[tilespmem:s9], [sflag:$0x1] =	stream.linear.gather [hbm4b:s25+s2], $0x80, $0x38;
	[tilespmem:$0x8100] =	vst v63  }
0xb3: {  	s22 =	sadd.s32 s4, s22;
	(v2sf) =	vpush v4, $0xF;
	s10 =	sand.u32 $0x1FFFFFF0, s24;
	s24 =	spop (v2sf)  }
0xb4: {  	v60, _, _ =	vpop (xrf0);
	s26 =	sshll.u32 s26, $0x4;
	s18 =	sshll.u32 s24, $0x4;
	s24 =	spop (v2sf)  }
0xb5: {  	s25 =	rddreg [dreg:$0x11];
	s26 =	sand.u32 $0x1FFFFFF0, s26;
	(v2sf) =	vpush v60, $0xF;
	s29 =	spop (v2sf)  }
0xb6: {  	s8 =	sshll.u32 s29, $0x4;
	s29 =	smov.u32 s6;
	s12 =	spop (v2sf)  }
0xb7: {  	v7, _, _ =	vpop (xrf0);
	s6 =	sand.u32 $0x1FFFFFF0, s8;
	s8 =	sadd.s32 s4, s23;
	s23 =	rddreg [dreg:$0xd]  }
0xb8: {  	v16 =	vsel vm11, $0x0, v1;
	(v2sf) =	vpush v7, $0xF;
	[tilespmem:s23], [sflag:$0x2] =	stream.linear.gather [hbm4b:s8+s2], $0x80, $0x38;
	[tilespmem:$0x8100] =	vst v63  }
0xb9: {  	(xrf0) =	vadd.scan.msk.s32 $0xffff, v16;
	s10 =	sadd.s32 s3, s10;
	s28 =	spop (v2sf);
	s23 =	rddreg [dreg:$0xc]  }
0xba: {  	v17 =	vsel vm12, $0x0, v1;
	[tilespmem:s23], [sflag:$0x1] =	stream.linear.gather [hbm4b:s10+s2], $0x80, $0x38;
	[tilespmem:$0x8100] =	vst v63  }
0xbb: {  	v18 =	vsel vm13, $0x0, v1;
	(xrf0) =	vadd.scan.msk.s32 $0xffff, v17;
	s24 =	sshll.u32 s24, $0x4;
	s9 =	sshll.u32 s12, $0x4;
	s12 =	spop (v2sf)  }
0xbc: {  	(xrf0) =	vadd.scan.msk.s32 $0xffff, v18;
	s8 =	sand.u32 $0x1FFFFFF0, s9;
	s23 =	rddreg [dreg:$0xb];
	s12 =	sshll.u32 s12, $0x4  }
0xbd: {  	v52 =	vsel vm14, $0x0, v1;
	[tilespmem:s23], [sflag:$0x2] =	stream.linear.gather [hbm4b:s22+s2], $0x80, $0x38;
	[tilespmem:$0x8100] =	vst v63  }
0xbe: {  	(xrf0) =	vadd.scan.msk.s32 $0xffff, v52;
	s23 =	sshll.u32 s28, $0x4;
	s28 =	rddreg [dreg:$0x10];
	s22 =	sadd.s32 s3, s26  }
0xbf: {  	v61, _, _ =	vpop (xrf0);
	(xrf0) =	vadd.scan.msk.s32 $0xffff, v0;
	s10 =	sand.u32 $0x1FFFFFF0, s12;
	s9 =	sand.u32 $0x1FFFFFF0, s23;
	s23 =	rddreg [dreg:$0xa]  }
0xc0: {  	v1 =	vsel vm15, $0x0, v1;
	[tilespmem:s23], [sflag:$0x1] =	stream.linear.gather [hbm4b:s22+s2], $0x80, $0x38;
	[tilespmem:$0x8100] =	vst v63  }
0xc1: {  	v8, _, _ =	vpop (xrf0);
	(xrf0) =	vadd.scan.msk.s32 $0xffff, v1;
	s26 =	rddreg [dreg:$0x9];
	s10 =	sadd.s32 s3, s10;
	s9 =	sadd.s32 s4, s9  }
0xc2: {  	v62, _, _ =	vpop (xrf0);
	(xrf0) =	vadd.scan.msk.s32 $0xffff, v3;
	s22 =	sand.u32 $0x1FFFFFF0, s24;
	s24 =	rddreg [dreg:$0x8];
	s12 =	spop (v2sf)  }
0xc3: {  	[tilespmem:s21], [sflag:$0x2] =	stream.linear.gather [hbm4b:s9+s2], $0x80, $0x38;
	[tilespmem:$0x8100] =	vst v63  }
0xc4: {  	v63, _, _ =	vpop (xrf0);
	(v2sf) =	vpush v61, $0xF;
	s12 =	sshll.u32 s12, $0x4;
	s9 =	sadd.s32 s3, s22;
	s23 =	spop (v2sf)  }
.Ltmp0:
0xc5: {  	v6, _, _ =	vpop (xrf0);
	(v2sf) =	vpush v8, $0xF;
	s21 =	sshll.u32 s23, $0x4;
	s23 =	rddreg [dreg:$0xe];
	(pc) =	sbr.rel @p0 .LBB2_2-.Ltmp0, $4  }
0xc6: {  	v4, _, _ =	vpop (xrf0);
	(v2sf) =	vpush v5, $0xF;
	[tilespmem:s23], [sflag:$0x1] =	stream.linear.gather [hbm4b:s9+s2], $0x80, $0x38;
	[tilespmem:$0x8100] =	vst v63  }
0xc7: {  	v3, _, _ =	vpop (xrf0);
	(v2sf) =	vpush v62, $0xF;
	s12 =	sand.u32 $0x1FFFFFF0, s12;
	s22 =	spop (v2sf);
	s23 =	sadd.s32 s4, s14  }
0xc8: {  	v1, _, _ =	vpop (xrf0);
	(v2sf) =	vpush v2, $0xF;
	[tilespmem:s30], [sflag:$0x2] =	stream.linear.gather [hbm4b:s23+s2], $0x80, $0x38;
	[tilespmem:$0x8100] =	vst v63  }
0xc9: {  	v0, _, _ =	vpop (xrf0);
	s14 =	sand.u32 $0x1FFFFFF0, s21;
	s9 =	sshll.u32 s22, $0x4;
	(v2sf) =	vpush v63, $0xF;
	s30 =	rddreg [dreg:$0x12]  }
0xca: {  	[tilespmem:s26], [sflag:$0x1] =	stream.linear.gather [hbm4b:s10+s2], $0x80, $0x38;
	[tilespmem:$0x8100] =	vst v63  }
0xcb: {  	s7 =	sadd.s32 s4, s7;
	s26 =	rddreg [dreg:$0x7]  }
0xcc: {  	[tilespmem:s26], [sflag:$0x2] =	stream.linear.gather [hbm4b:s7+s2], $0x80, $0x38;
	[tilespmem:$0x8100] =	vst v63  }
0xcd: {  	s12 =	sadd.s32 s3, s12;
	s17 =	rddreg [dreg:$0x6];
	s19 =	sand.u32 $0x1FFFFFF0, s18  }
0xce: {  	[tilespmem:s17], [sflag:$0x1] =	stream.linear.gather [hbm4b:s12+s2], $0x80, $0x38;
	[tilespmem:$0x8100] =	vst v63  }
0xcf: {  	s20 =	sadd.s32 $0x4480, s16;
	s7 =	sadd.s32 s4, s19  }
0xd0: {  	[tilespmem:s20], [sflag:$0x2] =	stream.linear.gather [hbm4b:s7+s2], $0x80, $0x38;
	[tilespmem:$0x8100] =	vst v63  }
0xd1: {  	s21 =	sadd.s32 s3, s14  }
0xd2: {  	[tilespmem:s29], [sflag:$0x1] =	stream.linear.gather [hbm4b:s21+s2], $0x80, $0x38;
	[tilespmem:$0x8100] =	vst v63  }
0xd3: {  	s6 =	sadd.s32 s4, s6;
	s22 =	sand.u32 $0x1FFFFFF0, s9  }
0xd4: {  	[tilespmem:s15], [sflag:$0x2] =	stream.linear.gather [hbm4b:s6+s2], $0x80, $0x38;
	[tilespmem:$0x8100] =	vst v63  }
0xd5: {  	s6 =	sadd.s32 s3, s22  }
0xd6: {  	[tilespmem:s28], [sflag:$0x1] =	stream.linear.gather [hbm4b:s6+s2], $0x80, $0x38;
	[tilespmem:$0x8100] =	vst v63  }
0xd7: {  	s23 =	sadd.s32 s4, s8  }
0xd8: {  	[tilespmem:s25], [sflag:$0x2] =	stream.linear.gather [hbm4b:s23+s2], $0x80, $0x38;
	[tilespmem:$0x8100] =	vst v63  }
0xd9: {  	s25 =	spop (v2sf)  }
0xda: {  	s6 =	sshll.u32 s25, $0x4  }
0xdb: {  	s6 =	sand.u32 $0x1FFFFFF0, s6  }
0xdc: {  	s26 =	spop (v2sf);
	s6 =	sadd.s32 s3, s6  }
0xdd: {  	(v2sf) =	vpush v6, $0xF;
	[tilespmem:s24], [sflag:$0x1] =	stream.linear.gather [hbm4b:s6+s2], $0x80, $0x38;
	[tilespmem:$0x8100] =	vst v63  }
0xde: {  	s6 =	sshll.u32 s26, $0x4  }
0xdf: {  	s28 =	spop (v2sf);
	s6 =	sand.u32 $0x1FFFFFF0, s6  }
0xe0: {  	s29 =	spop (v2sf);
	s6 =	sadd.s32 s4, s6  }
0xe1: {  	[tilespmem:s5], [sflag:$0x2] =	stream.linear.gather [hbm4b:s6+s2], $0x80, $0x38;
	[tilespmem:$0x8100] =	vst v63  }
0xe2: {  	s6 =	sshll.u32 s29, $0x4  }
0xe3: {  	s8 =	spop (v2sf);
	s6 =	sand.u32 $0x1FFFFFF0, s6  }
0xe4: {  	(v2sf) =	vpush v4, $0xF;
	s9 =	spop (v2sf);
	s6 =	sadd.s32 s3, s6  }
0xe5: {  	[tilespmem:s13], [sflag:$0x1] =	stream.linear.gather [hbm4b:s6+s2], $0x80, $0x38;
	[tilespmem:$0x8100] =	vst v63  }
0xe6: {  	s6 =	sshll.u32 s9, $0x4  }
0xe7: {  	s7 =	sadd.s32 s4, s11;
	s6 =	sand.u32 $0x1FFFFFF0, s6  }
0xe8: {  	(v2sf) =	vpush v3, $0xF;
	[tilespmem:s1], [sflag:$0x2] =	stream.linear.gather [hbm4b:s7+s2], $0x80, $0x38;
	[tilespmem:$0x8100] =	vst v63  }
0xe9: {  	s10 =	sshll.u32 s28, $0x4;
	s6 =	sadd.s32 s3, s6  }
0xea: {  	[tilespmem:s0], [sflag:$0x1] =	stream.linear.gather [hbm4b:s6+s2], $0x80, $0x38;
	[tilespmem:$0x8100] =	vst v63  }
0xeb: {  	s0 =	sand.u32 $0x1FFFFFF0, s10  }
0xec: {  	s0 =	sadd.s32 s4, s0;
	s11 =	spop (v2sf)  }
0xed: {  	[tilespmem:s31], [sflag:$0x2] =	stream.linear.gather [hbm4b:s0+s2], $0x80, $0x38;
	[tilespmem:$0x8100] =	vst v63  }
0xee: {  	(v2sf) =	vpush v1, $0xF;
	s0 =	sshll.u32 s11, $0x4  }
0xef: {  	s0 =	sand.u32 $0x1FFFFFF0, s0  }
0xf0: {  	s12 =	rddreg [dreg:$0x5];
	s13 =	sshll.u32 s8, $0x4;
	s0 =	sadd.s32 s3, s0  }
0xf1: {  	(v2sf) =	vpush v0, $0xF;
	[tilespmem:s12], [sflag:$0x1] =	stream.linear.gather [hbm4b:s0+s2], $0x80, $0x38;
	[tilespmem:$0x8100] =	vst v63  }
0xf2: {  	s0 =	sand.u32 $0x1FFFFFF0, s13  }
0xf3: {  	s14 =	rddreg [dreg:$0x4];
	s15 =	spop (v2sf);
	s0 =	sadd.s32 s4, s0  }
0xf4: {  	[tilespmem:s14], [sflag:$0x2] =	stream.linear.gather [hbm4b:s0+s2], $0x80, $0x38;
	[tilespmem:$0x8100] =	vst v63  }
0xf5: {  	s0 =	sshll.u32 s15, $0x4  }
0xf6: {  	s0 =	sand.u32 $0x1FFFFFF0, s0  }
0xf7: {  	s17 =	spop (v2sf);
	s0 =	sadd.s32 s3, s0  }
0xf8: {  	[tilespmem:s30], [sflag:$0x1] =	stream.linear.gather [hbm4b:s0+s2], $0x80, $0x38;
	[tilespmem:$0x8100] =	vst v63  }
0xf9: {  	s0 =	sshll.u32 s17, $0x4  }
0xfa: {  	s0 =	sand.u32 $0x1FFFFFF0, s0  }
0xfb: {  	s18 =	sadd.s32 $0x4800, s16;
	s0 =	sadd.s32 s4, s0  }
0xfc: {  	[tilespmem:s18], [sflag:$0x2] =	stream.linear.gather [hbm4b:s0+s2], $0x80, $0x38;
	[tilespmem:$0x8100] =	vst v63  }
0xfd: {  	s19 =	spop (v2sf)  }
0xfe: {  	s0 =	sshll.u32 s19, $0x4  }
0xff: {  	s0 =	sand.u32 $0x1FFFFFF0, s0  }
0x100: {  	s20 =	sadd.s32 $0x880, s16;
	s21 =	spop (v2sf);
	s0 =	sadd.s32 s3, s0  }
0x101: {  	[tilespmem:s20], [sflag:$0x1] =	stream.linear.gather [hbm4b:s0+s2], $0x80, $0x38;
	[tilespmem:$0x8100] =	vst v63  }
0x102: {  	s0 =	sshll.u32 s21, $0x4  }
0x103: {  	s0 =	sand.u32 $0x1FFFFFF0, s0  }
0x104: {  	s22 =	sadd.s32 $0x4880, s16;
	s23 =	simm.s32 $0x1;
	s0 =	sadd.s32 s4, s0  }
0x105: {  	[tilespmem:s22], [sflag:$0x2] =	stream.linear.gather [hbm4b:s0+s2], $0x80, $0x38;
	[tilespmem:$0x8100] =	vst v63  }
0x106: {  	_ =	swait.ge [sflag:s23], $0x4000  }
0x107: {  	[sflag:s23] =	ssyncset.done $0x0  }
0x108: {  	s24 =	simm.s32 $0x2;
	[sflag:s23] =	ssyncadd.s32 $0xFFFFC000  }
0x109: {  	_ =	swait.ge [sflag:s24], $0x4000  }
0x10a: {  	s26 =	simm.s32 $0x100;
	[sflag:s24] =	ssyncset.done $0x0  }
0x10b: {  	s5 =	simm.s32 $0x3;
	s25 =	rddreg [dreg:$0x14];
	[sflag:s24] =	ssyncadd.s32 $0xFFFFC000  }
0x10c: {  	[hbm4b:s25+s2] =	stream.linear.scatter [tilespmem:s26], [sflag:$0x3], $0x4000, $0x38;
	[tilespmem:$0x8100] =	vst v63  }
0x10d: {  	_ =	swait.ge [sflag:s5], $0x4000  }
0x10e: {  	[sflag:s5] =	ssyncset.done $0x0  }
0x10f: {  	s29 =	simm.s32 $0x4100;
	s28 =	rddreg [dreg:$0x16];
	[sflag:s5] =	ssyncadd.s32 $0xFFFFC000  }
0x110: {  	[hbm4b:s28+s2] =	stream.linear.scatter [tilespmem:s29], [sflag:$0x3], $0x4000, $0x38;
	[tilespmem:$0x8100] =	vst v63  }
0x111: {  	_ =	swait.ge [sflag:s5], $0x4000  }
0x112: {  	s30 =	rddreg [dreg:$0x18]  }
0x113: {  	s31 =	rddreg [dreg:$0x17];
	s1 =	sadd.s32 $0x1, s30  }
0x114: {  	p0 =	sne.s32 s1, s31  }
.Ltmp1:
0x115: {  	_ = 	snop;
	(pc) =	sbr.rel @p0 .LBB2_1-.Ltmp1, $3  }
0x116: {  	_ =	sdelay $0x1  }
0x117: {  	[sflag:s5] =	ssyncset.done $0x0  }
0x118: {  	[sflag:s5] =	ssyncadd.s32 $0xFFFFC000  }
0x119: {  	_ =	sfence.sel $0x180000  }
0x11a: {  	[bflag:$0x0] =	sbarrier.arrive $0xFFFF  }
0x11b: {  	_ =	strace $0x90000047  }
0x11c: {  	s0 =	stileid.u32;
	[bflag:$0x2] =	sbarrier.arrive $0xFFFF  }
0x11d: {  	p0 =	sne.s32 s0, $0x0;
	s0 =	rddreg [dreg:$0x3]  }
0x11e: {  	s0 =	sadd.s32 @!p0 $0x100000, s0  }
0x11f: {  	[sflag:s0] =	ssyncadd.tile.s32 @!p0 $0x1;
	_ =	shalt  }
.Lfunc_end2:
_tile_overlayer_lowered:
.L_overlay_start_2:
0x120: {  	(tag) =	ssettag $0x2  }
0x121: {  	s0 =	rddreg [dreg:$0x0];
	s2 =	stileid.u32  }
0x122: {  	s1 =	rddreg [dreg:$0x1];
	p0 =	sne.s32 s2, $0x0  }
0x123: {  	s3 =	rddreg [dreg:$0x2];
	[bflag:$0x3] =	sbarrier.arrive $0xFFFF;
	s2 =	simm.s32 @!p0 $0x1C03  }
0x124: {  	[timem:s3], [sflag:s2] =	dma.local @!p0 [hbm:s0], s1  }
0x125: {  	s0 =	simm.s32 @!p0 $0x3  }
0x126: {  	_ =	swait.ge @!p0 [sflag:s0], s1  }
0x127: {  	s1 =	ssub.s32 @!p0 $0x0, s1;
	[sflag:s0] =	ssyncset.done @!p0 $0x0  }
0x128: {  	[sflag:s0] =	ssyncadd.s32 @!p0 s1  }
0x129: {  	[bflag:$0x3] =	sbarrier.arrive $0xFFFF  }
0x12a: {  	_ =	shalt  }

</sc_bundles>
